<compile_context>
chip_gen: v7x
topology: tpu7x:2x2x1
jax: 0.10.2.dev20260603
libtpu: 0.0.44.dev20260713+nightly
codegen_flags: <defaults>
</compile_context>

<pallas_src>
import jax
import jax.numpy as jnp
from jax import lax
from jax.experimental import pallas as pl
from jax.experimental.pallas import tpu as pltpu
from jax.experimental.pallas import tpu_sc as plsc

N_USERS_C = 500000
B_C = 16384
D_C = 16
ROWS_PER_BLK = 8
BLK_W = ROWS_PER_BLK * D_C
NUM_CORES = 2
NUM_SUBCORES = 16
NW = NUM_CORES * NUM_SUBCORES
CHUNK = B_C // NW
HALF = CHUNK // 2


def _sc_body(tbl_hbm, users_hbm, items_hbm, w_hbm,
             scores_hbm, l2_hbm,
             u_idx, i_idx, ub_idx, ib_idx, u_blk, i_blk, w_v,
             s_out, l_out, sem):
    wid = lax.axis_index("s") * NUM_CORES + lax.axis_index("c")
    base = wid * CHUNK

    pltpu.sync_copy(users_hbm.at[pl.ds(base, CHUNK)], u_idx)
    pltpu.sync_copy(items_hbm.at[pl.ds(base, CHUNK)], i_idx)
    pltpu.sync_copy(w_hbm, w_v)

    iota = lax.iota(jnp.int32, D_C)
    w_vec = w_v[...]
    _dn = lax.GatherDimensionNumbers(
        offset_dims=(), collapsed_slice_dims=(0,), start_index_map=(0,))
    w_bcast = [
        lax.gather(w_vec, jnp.full((D_C, 1), d, jnp.int32),
                   dimension_numbers=_dn, slice_sizes=(1,),
                   mode=lax.GatherScatterMode.PROMISE_IN_BOUNDS)
        for d in range(D_C)
    ]

    for h in range(2):
        off = h * HALF
        for k in range(HALF // D_C):
            sl_src = pl.ds(off + k * D_C, D_C)
            sl_dst = pl.ds(k * D_C, D_C)
            ub_idx[sl_dst] = lax.shift_right_logical(u_idx[sl_src], 3)
            ib_idx[sl_dst] = lax.shift_right_logical(i_idx[sl_src], 3) + (
                N_USERS_C // ROWS_PER_BLK)

        cp_u = pltpu.make_async_copy(tbl_hbm.at[ub_idx], u_blk, sem)
        cp_i = pltpu.make_async_copy(tbl_hbm.at[ib_idx], i_blk, sem)
        cp_u.start()
        cp_i.start()
        cp_u.wait()
        cp_i.wait()

        def group(g, carry):
            rows = g * D_C + iota
            u16 = u_idx[pl.ds(off + g * D_C, D_C)]
            i16 = i_idx[pl.ds(off + g * D_C, D_C)]
            u_sub = lax.shift_left(jnp.bitwise_and(u16, 7), 4)
            i_sub = lax.shift_left(jnp.bitwise_and(i16, 7), 4)
            acc_s = jnp.zeros((D_C,), jnp.float32)
            acc_l = jnp.zeros((D_C,), jnp.float32)
            for d in range(D_C):
                u = plsc.load_gather(u_blk, [rows, u_sub + d])
                it = plsc.load_gather(i_blk, [rows, i_sub + d])
                s = u * it * w_bcast[d]
                acc_s = acc_s + s
                acc_l = acc_l + s * s
            s_out[pl.ds(off + g * D_C, D_C)] = acc_s
            l_out[pl.ds(off + g * D_C, D_C)] = acc_l
            return carry

        lax.fori_loop(0, HALF // D_C, group, 0)

    pltpu.sync_copy(s_out, scores_hbm.at[pl.ds(base, CHUNK)])
    pltpu.sync_copy(l_out, l2_hbm.at[pl.ds(base, CHUNK)])


def kernel(mf_table, mlp_table, W1, b1, out_w, users, items):
    users = users.astype(jnp.int32)
    items = items.astype(jnp.int32)
    w16 = out_w[0, :D_C].astype(jnp.float32)
    tbl = mf_table.reshape(-1, BLK_W)

    mesh = plsc.VectorSubcoreMesh(core_axis_name="c", subcore_axis_name="s")
    scores, l2 = pl.kernel(
        _sc_body,
        out_type=(
            jax.ShapeDtypeStruct((B_C,), jnp.float32),
            jax.ShapeDtypeStruct((B_C,), jnp.float32),
        ),
        mesh=mesh,
        compiler_params=pltpu.CompilerParams(needs_layout_passes=False),
        scratch_types=[
            pltpu.VMEM((CHUNK,), jnp.int32),
            pltpu.VMEM((CHUNK,), jnp.int32),
            pltpu.VMEM((HALF,), jnp.int32),
            pltpu.VMEM((HALF,), jnp.int32),
            pltpu.VMEM((HALF, BLK_W), jnp.float32),
            pltpu.VMEM((HALF, BLK_W), jnp.float32),
            pltpu.VMEM((D_C,), jnp.float32),
            pltpu.VMEM((CHUNK,), jnp.float32),
            pltpu.VMEM((CHUNK,), jnp.float32),
            pltpu.SemaphoreType.DMA,
        ],
    )(tbl, users, items, w16)
    return (scores, l2)

# --- scband reference (transcript-rebuilt; emitter-appended) ---
"""Pipeline reference for scband-neu-mf-63410897158864 (READ-ONLY COPY).

The authoritative reference and input builder live on the scoring server;
editing this copy changes nothing except your own understanding.
"""

import jax, jax.numpy as jnp
import numpy as np

N_USERS = 500000
N_ITEMS = 500000
D_MF = 16
LAYER_SIZES = [32, 16]
B = 16384


def setup_inputs(seed: int = 0) -> dict:
    key = jax.random.key(seed)
    ks = jax.random.split(key, 6)
    n_rows = N_USERS + N_ITEMS
    mf_table = jax.random.normal(ks[0], (n_rows, D_MF), dtype=jnp.float32) * 0.05
    mlp_table = jax.random.normal(ks[1], (n_rows, LAYER_SIZES[0] // 2), dtype=jnp.float32) * 0.05
    # mlp_layers: single Linear(layer_sizes[0] -> layer_sizes[1]), kaiming-ish init, zero bias
    W1 = jax.random.normal(ks[2], (LAYER_SIZES[1], LAYER_SIZES[0]), dtype=jnp.float32) * (1.0 / np.sqrt(LAYER_SIZES[0]))
    b1 = jnp.zeros((LAYER_SIZES[1],), dtype=jnp.float32)
    # output_layer: Linear(layer_sizes[-1] + embedding_size, 1, bias=False), weight initialized to ones
    out_w = jnp.ones((1, LAYER_SIZES[-1] + D_MF), dtype=jnp.float32)
    users = jax.random.randint(ks[3], (B,), 0, N_USERS)
    items = jax.random.randint(ks[4], (B,), 0, N_ITEMS)
    return {
        "mf_table": mf_table,
        "mlp_table": mlp_table,
        "W1": W1,
        "b1": b1,
        "out_w": out_w,
        "users": users,
        "items": items,
    }


def reference(mf_table, mlp_table, W1, b1, out_w, users, items):
    # NeuMF.forward with arch='gmf'
    users_mf_e = jnp.take(mf_table, users, axis=0)
    items_mf_e = jnp.take(mf_table, N_USERS + items, axis=0)
    users_mlp_e = jnp.take(mlp_table, users, axis=0)
    items_mlp_e = jnp.take(mlp_table, N_USERS + items, axis=0)
    mf_vectors = users_mf_e * items_mf_e
    mlp_vectors = jnp.concatenate([users_mlp_e, items_mlp_e], axis=1)
    mlp_vectors = jax.nn.leaky_relu(mlp_vectors @ W1.T + b1, negative_slope=0.01)
    # arch == 'gmf': zero out the mlp branch
    predict_vectors = jnp.concatenate([mf_vectors, jnp.zeros_like(mlp_vectors)], axis=1)
    scores_mat = predict_vectors * out_w
    l2_norm_sq = jnp.sum(scores_mat ** 2, axis=1)
    scores = jnp.sum(scores_mat, axis=1)
    return (scores, l2_norm_sq)

if __name__ == "__main__":
    import jax
    _d = setup_inputs()
    print(jax.jit(kernel)(*tuple(_d.values())))

</pallas_src>

<mosaic_0001>
#map = affine_map<(d0, d1) -> (0, 0)>
#map1 = affine_map<(d0, d1) -> (0)>
module attributes {stable_mosaic.version = 14 : i64} {
  func.func @_sc_body(%arg0: i32, %arg1: i32, %arg2: memref<125000x128xf32, #tpu.memory_space<hbm>>, %arg3: memref<16384xi32, #tpu.memory_space<hbm>>, %arg4: memref<16384xi32, #tpu.memory_space<hbm>>, %arg5: memref<16xf32, #tpu.memory_space<hbm>>, %arg6: memref<16384xf32, #tpu.memory_space<hbm>>, %arg7: memref<16384xf32, #tpu.memory_space<hbm>>, %arg8: memref<512xi32, #tpu.memory_space<vmem>>, %arg9: memref<512xi32, #tpu.memory_space<vmem>>, %arg10: memref<256xi32, #tpu.memory_space<vmem>>, %arg11: memref<256xi32, #tpu.memory_space<vmem>>, %arg12: memref<256x128xf32, #tpu.memory_space<vmem>>, %arg13: memref<256x128xf32, #tpu.memory_space<vmem>>, %arg14: memref<16xf32, #tpu.memory_space<vmem>>, %arg15: memref<512xf32, #tpu.memory_space<vmem>>, %arg16: memref<512xf32, #tpu.memory_space<vmem>>, %arg17: memref<!tpu.dma_semaphore, #tpu.memory_space<semaphore_mem>>) attributes {dimension_semantics = [#tpu.dimension_semantics<core_parallel>, #tpu.dimension_semantics<subcore_parallel>], iteration_bounds = array<i64: 2, 16>, scalar_prefetch = 0 : i64, scratch_operands = 10 : i64, tpu.core_type = #tpu.core_type<sc_vector_subcore>, window_params = [{transform_indices = #map}, {transform_indices = #map1}, {transform_indices = #map1}, {transform_indices = #map1}, {transform_indices = #map1}, {transform_indices = #map1}]} {
    %mul3A = arith.constant 2 : i32
    %mul3A_0 = arith.muli %arg1, %mul3A : i32
    %add3A = arith.addi %mul3A_0, %arg0 : i32
    %mul3A_1 = arith.constant 512 : i32
    %mul3A_2 = arith.muli %add3A, %mul3A_1 : i32
    "tpu.region"() ({
      %run_scoped3A = tpu.sem_alloc : memref<!tpu.dma_semaphore, #tpu.memory_space<semaphore_mem>>
      %dma_start3A_641 = tpu.memref_slice %arg3[%mul3A_2] : memref<16384xi32, #tpu.memory_space<hbm>> -> memref<512xi32, #tpu.memory_space<hbm>>
      %dma_start3A_642 = tpu.memref_slice %arg3[%mul3A_2] : memref<16384xi32, #tpu.memory_space<hbm>> -> memref<512xi32, #tpu.memory_space<hbm>>
      tpu.enqueue_dma source(%dma_start3A_642 : memref<512xi32, #tpu.memory_space<hbm>>) target(%arg8 : memref<512xi32, #tpu.memory_space<vmem>>) target_semaphore(%run_scoped3A : memref<!tpu.dma_semaphore, #tpu.memory_space<semaphore_mem>>)
      %dma_wait3A_643 = tpu.memref_slice %arg3[%mul3A_2] : memref<16384xi32, #tpu.memory_space<hbm>> -> memref<512xi32, #tpu.memory_space<hbm>>
      %dma_wait3A_644 = tpu.memref_slice %arg3[%mul3A_2] : memref<16384xi32, #tpu.memory_space<hbm>> -> memref<512xi32, #tpu.memory_space<hbm>>
      tpu.wait_dma2 semaphore(%run_scoped3A : memref<!tpu.dma_semaphore, #tpu.memory_space<semaphore_mem>>) src(%dma_wait3A_644 : memref<512xi32, #tpu.memory_space<hbm>>) dst(%arg8 : memref<512xi32, #tpu.memory_space<vmem>>)
      tpu.yield
    }) : () -> ()
    "tpu.region"() ({
      %run_scoped3A = tpu.sem_alloc : memref<!tpu.dma_semaphore, #tpu.memory_space<semaphore_mem>>
      %dma_start3A_641 = tpu.memref_slice %arg4[%mul3A_2] : memref<16384xi32, #tpu.memory_space<hbm>> -> memref<512xi32, #tpu.memory_space<hbm>>
      %dma_start3A_642 = tpu.memref_slice %arg4[%mul3A_2] : memref<16384xi32, #tpu.memory_space<hbm>> -> memref<512xi32, #tpu.memory_space<hbm>>
      tpu.enqueue_dma source(%dma_start3A_642 : memref<512xi32, #tpu.memory_space<hbm>>) target(%arg9 : memref<512xi32, #tpu.memory_space<vmem>>) target_semaphore(%run_scoped3A : memref<!tpu.dma_semaphore, #tpu.memory_space<semaphore_mem>>)
      %dma_wait3A_643 = tpu.memref_slice %arg4[%mul3A_2] : memref<16384xi32, #tpu.memory_space<hbm>> -> memref<512xi32, #tpu.memory_space<hbm>>
      %dma_wait3A_644 = tpu.memref_slice %arg4[%mul3A_2] : memref<16384xi32, #tpu.memory_space<hbm>> -> memref<512xi32, #tpu.memory_space<hbm>>
      tpu.wait_dma2 semaphore(%run_scoped3A : memref<!tpu.dma_semaphore, #tpu.memory_space<semaphore_mem>>) src(%dma_wait3A_644 : memref<512xi32, #tpu.memory_space<hbm>>) dst(%arg9 : memref<512xi32, #tpu.memory_space<vmem>>)
      tpu.yield
    }) : () -> ()
    "tpu.region"() ({
      %run_scoped3A = tpu.sem_alloc : memref<!tpu.dma_semaphore, #tpu.memory_space<semaphore_mem>>
      tpu.enqueue_dma source(%arg5 : memref<16xf32, #tpu.memory_space<hbm>>) target(%arg14 : memref<16xf32, #tpu.memory_space<vmem>>) target_semaphore(%run_scoped3A : memref<!tpu.dma_semaphore, #tpu.memory_space<semaphore_mem>>)
      tpu.wait_dma2 semaphore(%run_scoped3A : memref<!tpu.dma_semaphore, #tpu.memory_space<semaphore_mem>>) src(%arg5 : memref<16xf32, #tpu.memory_space<hbm>>) dst(%arg14 : memref<16xf32, #tpu.memory_space<vmem>>)
      tpu.yield
    }) : () -> ()
    %iota3A = tpu.iota {dimensions = array<i32: 0>} : vector<16xi32>
    %get3A = arith.constant 0 : index
    %get3A_3 = tpu.vector_load %arg14[%get3A] {strides = array<i32>} : memref<16xf32, #tpu.memory_space<vmem>>, vector<16xf32>,
    %broadcast_in_dim3A = arith.constant 0 : i32
    %broadcast_in_dim3A_4 = vector.broadcast %broadcast_in_dim3A : i32 to vector<16x1xi32>
    %gather3A = vector.shape_cast %broadcast_in_dim3A_4 : vector<16x1xi32> to vector<16xi32>
    %gather3A_5 = tpu.dynamic_gather %get3A_3[%gather3A] in [0] : vector<16xf32>, vector<16xi32> -> vector<16xf32>
    %broadcast_in_dim3A_6 = arith.constant 1 : i32
    %broadcast_in_dim3A_7 = vector.broadcast %broadcast_in_dim3A_6 : i32 to vector<16x1xi32>
    %gather3A_8 = vector.shape_cast %broadcast_in_dim3A_7 : vector<16x1xi32> to vector<16xi32>
    %gather3A_9 = tpu.dynamic_gather %get3A_3[%gather3A_8] in [0] : vector<16xf32>, vector<16xi32> -> vector<16xf32>
    %broadcast_in_dim3A_10 = arith.constant 2 : i32
    %broadcast_in_dim3A_11 = vector.broadcast %broadcast_in_dim3A_10 : i32 to vector<16x1xi32>
    %gather3A_12 = vector.shape_cast %broadcast_in_dim3A_11 : vector<16x1xi32> to vector<16xi32>
    %gather3A_13 = tpu.dynamic_gather %get3A_3[%gather3A_12] in [0] : vector<16xf32>, vector<16xi32> -> vector<16xf32>
    %broadcast_in_dim3A_14 = arith.constant 3 : i32
    %broadcast_in_dim3A_15 = vector.broadcast %broadcast_in_dim3A_14 : i32 to vector<16x1xi32>
    %gather3A_16 = vector.shape_cast %broadcast_in_dim3A_15 : vector<16x1xi32> to vector<16xi32>
    %gather3A_17 = tpu.dynamic_gather %get3A_3[%gather3A_16] in [0] : vector<16xf32>, vector<16xi32> -> vector<16xf32>
    %broadcast_in_dim3A_18 = arith.constant 4 : i32
    %broadcast_in_dim3A_19 = vector.broadcast %broadcast_in_dim3A_18 : i32 to vector<16x1xi32>
    %gather3A_20 = vector.shape_cast %broadcast_in_dim3A_19 : vector<16x1xi32> to vector<16xi32>
    %gather3A_21 = tpu.dynamic_gather %get3A_3[%gather3A_20] in [0] : vector<16xf32>, vector<16xi32> -> vector<16xf32>
    %broadcast_in_dim3A_22 = arith.constant 5 : i32
    %broadcast_in_dim3A_23 = vector.broadcast %broadcast_in_dim3A_22 : i32 to vector<16x1xi32>
    %gather3A_24 = vector.shape_cast %broadcast_in_dim3A_23 : vector<16x1xi32> to vector<16xi32>
    %gather3A_25 = tpu.dynamic_gather %get3A_3[%gather3A_24] in [0] : vector<16xf32>, vector<16xi32> -> vector<16xf32>
    %broadcast_in_dim3A_26 = arith.constant 6 : i32
    %broadcast_in_dim3A_27 = vector.broadcast %broadcast_in_dim3A_26 : i32 to vector<16x1xi32>
    %gather3A_28 = vector.shape_cast %broadcast_in_dim3A_27 : vector<16x1xi32> to vector<16xi32>
    %gather3A_29 = tpu.dynamic_gather %get3A_3[%gather3A_28] in [0] : vector<16xf32>, vector<16xi32> -> vector<16xf32>
    %broadcast_in_dim3A_30 = arith.constant 7 : i32
    %broadcast_in_dim3A_31 = vector.broadcast %broadcast_in_dim3A_30 : i32 to vector<16x1xi32>
    %gather3A_32 = vector.shape_cast %broadcast_in_dim3A_31 : vector<16x1xi32> to vector<16xi32>
    %gather3A_33 = tpu.dynamic_gather %get3A_3[%gather3A_32] in [0] : vector<16xf32>, vector<16xi32> -> vector<16xf32>
    %broadcast_in_dim3A_34 = arith.constant 8 : i32
    %broadcast_in_dim3A_35 = vector.broadcast %broadcast_in_dim3A_34 : i32 to vector<16x1xi32>
    %gather3A_36 = vector.shape_cast %broadcast_in_dim3A_35 : vector<16x1xi32> to vector<16xi32>
    %gather3A_37 = tpu.dynamic_gather %get3A_3[%gather3A_36] in [0] : vector<16xf32>, vector<16xi32> -> vector<16xf32>
    %broadcast_in_dim3A_38 = arith.constant 9 : i32
    %broadcast_in_dim3A_39 = vector.broadcast %broadcast_in_dim3A_38 : i32 to vector<16x1xi32>
    %gather3A_40 = vector.shape_cast %broadcast_in_dim3A_39 : vector<16x1xi32> to vector<16xi32>
    %gather3A_41 = tpu.dynamic_gather %get3A_3[%gather3A_40] in [0] : vector<16xf32>, vector<16xi32> -> vector<16xf32>
    %broadcast_in_dim3A_42 = arith.constant 10 : i32
    %broadcast_in_dim3A_43 = vector.broadcast %broadcast_in_dim3A_42 : i32 to vector<16x1xi32>
    %gather3A_44 = vector.shape_cast %broadcast_in_dim3A_43 : vector<16x1xi32> to vector<16xi32>
    %gather3A_45 = tpu.dynamic_gather %get3A_3[%gather3A_44] in [0] : vector<16xf32>, vector<16xi32> -> vector<16xf32>
    %broadcast_in_dim3A_46 = arith.constant 11 : i32
    %broadcast_in_dim3A_47 = vector.broadcast %broadcast_in_dim3A_46 : i32 to vector<16x1xi32>
    %gather3A_48 = vector.shape_cast %broadcast_in_dim3A_47 : vector<16x1xi32> to vector<16xi32>
    %gather3A_49 = tpu.dynamic_gather %get3A_3[%gather3A_48] in [0] : vector<16xf32>, vector<16xi32> -> vector<16xf32>
    %broadcast_in_dim3A_50 = arith.constant 12 : i32
    %broadcast_in_dim3A_51 = vector.broadcast %broadcast_in_dim3A_50 : i32 to vector<16x1xi32>
    %gather3A_52 = vector.shape_cast %broadcast_in_dim3A_51 : vector<16x1xi32> to vector<16xi32>
    %gather3A_53 = tpu.dynamic_gather %get3A_3[%gather3A_52] in [0] : vector<16xf32>, vector<16xi32> -> vector<16xf32>
    %broadcast_in_dim3A_54 = arith.constant 13 : i32
    %broadcast_in_dim3A_55 = vector.broadcast %broadcast_in_dim3A_54 : i32 to vector<16x1xi32>
    %gather3A_56 = vector.shape_cast %broadcast_in_dim3A_55 : vector<16x1xi32> to vector<16xi32>
    %gather3A_57 = tpu.dynamic_gather %get3A_3[%gather3A_56] in [0] : vector<16xf32>, vector<16xi32> -> vector<16xf32>
    %broadcast_in_dim3A_58 = arith.constant 14 : i32
    %broadcast_in_dim3A_59 = vector.broadcast %broadcast_in_dim3A_58 : i32 to vector<16x1xi32>
    %gather3A_60 = vector.shape_cast %broadcast_in_dim3A_59 : vector<16x1xi32> to vector<16xi32>
    %gather3A_61 = tpu.dynamic_gather %get3A_3[%gather3A_60] in [0] : vector<16xf32>, vector<16xi32> -> vector<16xf32>
    %broadcast_in_dim3A_62 = arith.constant 15 : i32
    %broadcast_in_dim3A_63 = vector.broadcast %broadcast_in_dim3A_62 : i32 to vector<16x1xi32>
    %gather3A_64 = vector.shape_cast %broadcast_in_dim3A_63 : vector<16x1xi32> to vector<16xi32>
    %gather3A_65 = tpu.dynamic_gather %get3A_3[%gather3A_64] in [0] : vector<16xf32>, vector<16xi32> -> vector<16xf32>
    %get3A_66 = arith.constant 0 : index
    %get3A_67 = tpu.vector_load %arg8[%get3A_66] {strides = array<i32>} : memref<512xi32, #tpu.memory_space<vmem>>, vector<16xi32>,
    %shift_right_logical3A = arith.constant 3 : i32
    %shift_right_logical3A_68 = vector.broadcast %shift_right_logical3A : i32 to vector<16xi32>
    %shift_right_logical3A_69 = arith.shrui %get3A_67, %shift_right_logical3A_68 : vector<16xi32>
    %swap3A = arith.constant 0 : index
    %swap3A_70 = tpu.vector_load %arg10[%swap3A] {strides = array<i32>} : memref<256xi32, #tpu.memory_space<vmem>>, vector<16xi32>,
    tpu.vector_store %arg10[%swap3A], %shift_right_logical3A_69 {strides = array<i32>} : memref<256xi32, #tpu.memory_space<vmem>>, vector<16xi32>,
    %get3A_71 = arith.constant 0 : index
    %get3A_72 = tpu.vector_load %arg9[%get3A_71] {strides = array<i32>} : memref<512xi32, #tpu.memory_space<vmem>>, vector<16xi32>,
    %shift_right_logical3A_73 = arith.constant 3 : i32
    %shift_right_logical3A_74 = vector.broadcast %shift_right_logical3A_73 : i32 to vector<16xi32>
    %shift_right_logical3A_75 = arith.shrui %get3A_72, %shift_right_logical3A_74 : vector<16xi32>
    %add3A_76 = arith.constant 62500 : i32
    %add3A_77 = vector.broadcast %add3A_76 : i32 to vector<16xi32>
    %add3A_78 = arith.addi %shift_right_logical3A_75, %add3A_77 : vector<16xi32>
    %swap3A_79 = arith.constant 0 : index
    %swap3A_80 = tpu.vector_load %arg11[%swap3A_79] {strides = array<i32>} : memref<256xi32, #tpu.memory_space<vmem>>, vector<16xi32>,
    tpu.vector_store %arg11[%swap3A_79], %add3A_78 {strides = array<i32>} : memref<256xi32, #tpu.memory_space<vmem>>, vector<16xi32>,
    %get3A_81 = arith.constant 16 : index
    %get3A_82 = tpu.vector_load %arg8[%get3A_81] {strides = array<i32>} : memref<512xi32, #tpu.memory_space<vmem>>, vector<16xi32>,
    %shift_right_logical3A_83 = arith.constant 3 : i32
    %shift_right_logical3A_84 = vector.broadcast %shift_right_logical3A_83 : i32 to vector<16xi32>
    %shift_right_logical3A_85 = arith.shrui %get3A_82, %shift_right_logical3A_84 : vector<16xi32>
    %swap3A_86 = arith.constant 16 : index
    %swap3A_87 = tpu.vector_load %arg10[%swap3A_86] {strides = array<i32>} : memref<256xi32, #tpu.memory_space<vmem>>, vector<16xi32>,
    tpu.vector_store %arg10[%swap3A_86], %shift_right_logical3A_85 {strides = array<i32>} : memref<256xi32, #tpu.memory_space<vmem>>, vector<16xi32>,
    %get3A_88 = arith.constant 16 : index
    %get3A_89 = tpu.vector_load %arg9[%get3A_88] {strides = array<i32>} : memref<512xi32, #tpu.memory_space<vmem>>, vector<16xi32>,
    %shift_right_logical3A_90 = arith.constant 3 : i32
    %shift_right_logical3A_91 = vector.broadcast %shift_right_logical3A_90 : i32 to vector<16xi32>
    %shift_right_logical3A_92 = arith.shrui %get3A_89, %shift_right_logical3A_91 : vector<16xi32>
    %add3A_93 = arith.constant 62500 : i32
    %add3A_94 = vector.broadcast %add3A_93 : i32 to vector<16xi32>
    %add3A_95 = arith.addi %shift_right_logical3A_92, %add3A_94 : vector<16xi32>
    %swap3A_96 = arith.constant 16 : index
    %swap3A_97 = tpu.vector_load %arg11[%swap3A_96] {strides = array<i32>} : memref<256xi32, #tpu.memory_space<vmem>>, vector<16xi32>,
    tpu.vector_store %arg11[%swap3A_96], %add3A_95 {strides = array<i32>} : memref<256xi32, #tpu.memory_space<vmem>>, vector<16xi32>,
    %get3A_98 = arith.constant 32 : index
    %get3A_99 = tpu.vector_load %arg8[%get3A_98] {strides = array<i32>} : memref<512xi32, #tpu.memory_space<vmem>>, vector<16xi32>,
    %shift_right_logical3A_100 = arith.constant 3 : i32
    %shift_right_logical3A_101 = vector.broadcast %shift_right_logical3A_100 : i32 to vector<16xi32>
    %shift_right_logical3A_102 = arith.shrui %get3A_99, %shift_right_logical3A_101 : vector<16xi32>
    %swap3A_103 = arith.constant 32 : index
    %swap3A_104 = tpu.vector_load %arg10[%swap3A_103] {strides = array<i32>} : memref<256xi32, #tpu.memory_space<vmem>>, vector<16xi32>,
    tpu.vector_store %arg10[%swap3A_103], %shift_right_logical3A_102 {strides = array<i32>} : memref<256xi32, #tpu.memory_space<vmem>>, vector<16xi32>,
    %get3A_105 = arith.constant 32 : index
    %get3A_106 = tpu.vector_load %arg9[%get3A_105] {strides = array<i32>} : memref<512xi32, #tpu.memory_space<vmem>>, vector<16xi32>,
    %shift_right_logical3A_107 = arith.constant 3 : i32
    %shift_right_logical3A_108 = vector.broadcast %shift_right_logical3A_107 : i32 to vector<16xi32>
    %shift_right_logical3A_109 = arith.shrui %get3A_106, %shift_right_logical3A_108 : vector<16xi32>
    %add3A_110 = arith.constant 62500 : i32
    %add3A_111 = vector.broadcast %add3A_110 : i32 to vector<16xi32>
    %add3A_112 = arith.addi %shift_right_logical3A_109, %add3A_111 : vector<16xi32>
    %swap3A_113 = arith.constant 32 : index
    %swap3A_114 = tpu.vector_load %arg11[%swap3A_113] {strides = array<i32>} : memref<256xi32, #tpu.memory_space<vmem>>, vector<16xi32>,
    tpu.vector_store %arg11[%swap3A_113], %add3A_112 {strides = array<i32>} : memref<256xi32, #tpu.memory_space<vmem>>, vector<16xi32>,
    %get3A_115 = arith.constant 48 : index
    %get3A_116 = tpu.vector_load %arg8[%get3A_115] {strides = array<i32>} : memref<512xi32, #tpu.memory_space<vmem>>, vector<16xi32>,
    %shift_right_logical3A_117 = arith.constant 3 : i32
    %shift_right_logical3A_118 = vector.broadcast %shift_right_logical3A_117 : i32 to vector<16xi32>
    %shift_right_logical3A_119 = arith.shrui %get3A_116, %shift_right_logical3A_118 : vector<16xi32>
    %swap3A_120 = arith.constant 48 : index
    %swap3A_121 = tpu.vector_load %arg10[%swap3A_120] {strides = array<i32>} : memref<256xi32, #tpu.memory_space<vmem>>, vector<16xi32>,
    tpu.vector_store %arg10[%swap3A_120], %shift_right_logical3A_119 {strides = array<i32>} : memref<256xi32, #tpu.memory_space<vmem>>, vector<16xi32>,
    %get3A_122 = arith.constant 48 : index
    %get3A_123 = tpu.vector_load %arg9[%get3A_122] {strides = array<i32>} : memref<512xi32, #tpu.memory_space<vmem>>, vector<16xi32>,
    %shift_right_logical3A_124 = arith.constant 3 : i32
    %shift_right_logical3A_125 = vector.broadcast %shift_right_logical3A_124 : i32 to vector<16xi32>
    %shift_right_logical3A_126 = arith.shrui %get3A_123, %shift_right_logical3A_125 : vector<16xi32>
    %add3A_127 = arith.constant 62500 : i32
    %add3A_128 = vector.broadcast %add3A_127 : i32 to vector<16xi32>
    %add3A_129 = arith.addi %shift_right_logical3A_126, %add3A_128 : vector<16xi32>
    %swap3A_130 = arith.constant 48 : index
    %swap3A_131 = tpu.vector_load %arg11[%swap3A_130] {strides = array<i32>} : memref<256xi32, #tpu.memory_space<vmem>>, vector<16xi32>,
    tpu.vector_store %arg11[%swap3A_130], %add3A_129 {strides = array<i32>} : memref<256xi32, #tpu.memory_space<vmem>>, vector<16xi32>,
    %get3A_132 = arith.constant 64 : index
    %get3A_133 = tpu.vector_load %arg8[%get3A_132] {strides = array<i32>} : memref<512xi32, #tpu.memory_space<vmem>>, vector<16xi32>,
    %shift_right_logical3A_134 = arith.constant 3 : i32
    %shift_right_logical3A_135 = vector.broadcast %shift_right_logical3A_134 : i32 to vector<16xi32>
    %shift_right_logical3A_136 = arith.shrui %get3A_133, %shift_right_logical3A_135 : vector<16xi32>
    %swap3A_137 = arith.constant 64 : index
    %swap3A_138 = tpu.vector_load %arg10[%swap3A_137] {strides = array<i32>} : memref<256xi32, #tpu.memory_space<vmem>>, vector<16xi32>,
    tpu.vector_store %arg10[%swap3A_137], %shift_right_logical3A_136 {strides = array<i32>} : memref<256xi32, #tpu.memory_space<vmem>>, vector<16xi32>,
    %get3A_139 = arith.constant 64 : index
    %get3A_140 = tpu.vector_load %arg9[%get3A_139] {strides = array<i32>} : memref<512xi32, #tpu.memory_space<vmem>>, vector<16xi32>,
    %shift_right_logical3A_141 = arith.constant 3 : i32
    %shift_right_logical3A_142 = vector.broadcast %shift_right_logical3A_141 : i32 to vector<16xi32>
    %shift_right_logical3A_143 = arith.shrui %get3A_140, %shift_right_logical3A_142 : vector<16xi32>
    %add3A_144 = arith.constant 62500 : i32
    %add3A_145 = vector.broadcast %add3A_144 : i32 to vector<16xi32>
    %add3A_146 = arith.addi %shift_right_logical3A_143, %add3A_145 : vector<16xi32>
    %swap3A_147 = arith.constant 64 : index
    %swap3A_148 = tpu.vector_load %arg11[%swap3A_147] {strides = array<i32>} : memref<256xi32, #tpu.memory_space<vmem>>, vector<16xi32>,
    tpu.vector_store %arg11[%swap3A_147], %add3A_146 {strides = array<i32>} : memref<256xi32, #tpu.memory_space<vmem>>, vector<16xi32>,
    %get3A_149 = arith.constant 80 : index
    %get3A_150 = tpu.vector_load %arg8[%get3A_149] {strides = array<i32>} : memref<512xi32, #tpu.memory_space<vmem>>, vector<16xi32>,
    %shift_right_logical3A_151 = arith.constant 3 : i32
    %shift_right_logical3A_152 = vector.broadcast %shift_right_logical3A_151 : i32 to vector<16xi32>
    %shift_right_logical3A_153 = arith.shrui %get3A_150, %shift_right_logical3A_152 : vector<16xi32>
    %swap3A_154 = arith.constant 80 : index
    %swap3A_155 = tpu.vector_load %arg10[%swap3A_154] {strides = array<i32>} : memref<256xi32, #tpu.memory_space<vmem>>, vector<16xi32>,
    tpu.vector_store %arg10[%swap3A_154], %shift_right_logical3A_153 {strides = array<i32>} : memref<256xi32, #tpu.memory_space<vmem>>, vector<16xi32>,
    %get3A_156 = arith.constant 80 : index
    %get3A_157 = tpu.vector_load %arg9[%get3A_156] {strides = array<i32>} : memref<512xi32, #tpu.memory_space<vmem>>, vector<16xi32>,
    %shift_right_logical3A_158 = arith.constant 3 : i32
    %shift_right_logical3A_159 = vector.broadcast %shift_right_logical3A_158 : i32 to vector<16xi32>
    %shift_right_logical3A_160 = arith.shrui %get3A_157, %shift_right_logical3A_159 : vector<16xi32>
    %add3A_161 = arith.constant 62500 : i32
    %add3A_162 = vector.broadcast %add3A_161 : i32 to vector<16xi32>
    %add3A_163 = arith.addi %shift_right_logical3A_160, %add3A_162 : vector<16xi32>
    %swap3A_164 = arith.constant 80 : index
    %swap3A_165 = tpu.vector_load %arg11[%swap3A_164] {strides = array<i32>} : memref<256xi32, #tpu.memory_space<vmem>>, vector<16xi32>,
    tpu.vector_store %arg11[%swap3A_164], %add3A_163 {strides = array<i32>} : memref<256xi32, #tpu.memory_space<vmem>>, vector<16xi32>,
    %get3A_166 = arith.constant 96 : index
    %get3A_167 = tpu.vector_load %arg8[%get3A_166] {strides = array<i32>} : memref<512xi32, #tpu.memory_space<vmem>>, vector<16xi32>,
    %shift_right_logical3A_168 = arith.constant 3 : i32
    %shift_right_logical3A_169 = vector.broadcast %shift_right_logical3A_168 : i32 to vector<16xi32>
    %shift_right_logical3A_170 = arith.shrui %get3A_167, %shift_right_logical3A_169 : vector<16xi32>
    %swap3A_171 = arith.constant 96 : index
    %swap3A_172 = tpu.vector_load %arg10[%swap3A_171] {strides = array<i32>} : memref<256xi32, #tpu.memory_space<vmem>>, vector<16xi32>,
    tpu.vector_store %arg10[%swap3A_171], %shift_right_logical3A_170 {strides = array<i32>} : memref<256xi32, #tpu.memory_space<vmem>>, vector<16xi32>,
    %get3A_173 = arith.constant 96 : index
    %get3A_174 = tpu.vector_load %arg9[%get3A_173] {strides = array<i32>} : memref<512xi32, #tpu.memory_space<vmem>>, vector<16xi32>,
    %shift_right_logical3A_175 = arith.constant 3 : i32
    %shift_right_logical3A_176 = vector.broadcast %shift_right_logical3A_175 : i32 to vector<16xi32>
    %shift_right_logical3A_177 = arith.shrui %get3A_174, %shift_right_logical3A_176 : vector<16xi32>
    %add3A_178 = arith.constant 62500 : i32
    %add3A_179 = vector.broadcast %add3A_178 : i32 to vector<16xi32>
    %add3A_180 = arith.addi %shift_right_logical3A_177, %add3A_179 : vector<16xi32>
    %swap3A_181 = arith.constant 96 : index
    %swap3A_182 = tpu.vector_load %arg11[%swap3A_181] {strides = array<i32>} : memref<256xi32, #tpu.memory_space<vmem>>, vector<16xi32>,
    tpu.vector_store %arg11[%swap3A_181], %add3A_180 {strides = array<i32>} : memref<256xi32, #tpu.memory_space<vmem>>, vector<16xi32>,
    %get3A_183 = arith.constant 112 : index
    %get3A_184 = tpu.vector_load %arg8[%get3A_183] {strides = array<i32>} : memref<512xi32, #tpu.memory_space<vmem>>, vector<16xi32>,
    %shift_right_logical3A_185 = arith.constant 3 : i32
    %shift_right_logical3A_186 = vector.broadcast %shift_right_logical3A_185 : i32 to vector<16xi32>
    %shift_right_logical3A_187 = arith.shrui %get3A_184, %shift_right_logical3A_186 : vector<16xi32>
    %swap3A_188 = arith.constant 112 : index
    %swap3A_189 = tpu.vector_load %arg10[%swap3A_188] {strides = array<i32>} : memref<256xi32, #tpu.memory_space<vmem>>, vector<16xi32>,
    tpu.vector_store %arg10[%swap3A_188], %shift_right_logical3A_187 {strides = array<i32>} : memref<256xi32, #tpu.memory_space<vmem>>, vector<16xi32>,
    %get3A_190 = arith.constant 112 : index
    %get3A_191 = tpu.vector_load %arg9[%get3A_190] {strides = array<i32>} : memref<512xi32, #tpu.memory_space<vmem>>, vector<16xi32>,
    %shift_right_logical3A_192 = arith.constant 3 : i32
    %shift_right_logical3A_193 = vector.broadcast %shift_right_logical3A_192 : i32 to vector<16xi32>
    %shift_right_logical3A_194 = arith.shrui %get3A_191, %shift_right_logical3A_193 : vector<16xi32>
    %add3A_195 = arith.constant 62500 : i32
    %add3A_196 = vector.broadcast %add3A_195 : i32 to vector<16xi32>
    %add3A_197 = arith.addi %shift_right_logical3A_194, %add3A_196 : vector<16xi32>
    %swap3A_198 = arith.constant 112 : index
    %swap3A_199 = tpu.vector_load %arg11[%swap3A_198] {strides = array<i32>} : memref<256xi32, #tpu.memory_space<vmem>>, vector<16xi32>,
    tpu.vector_store %arg11[%swap3A_198], %add3A_197 {strides = array<i32>} : memref<256xi32, #tpu.memory_space<vmem>>, vector<16xi32>,
    %get3A_200 = arith.constant 128 : index
    %get3A_201 = tpu.vector_load %arg8[%get3A_200] {strides = array<i32>} : memref<512xi32, #tpu.memory_space<vmem>>, vector<16xi32>,
    %shift_right_logical3A_202 = arith.constant 3 : i32
    %shift_right_logical3A_203 = vector.broadcast %shift_right_logical3A_202 : i32 to vector<16xi32>
    %shift_right_logical3A_204 = arith.shrui %get3A_201, %shift_right_logical3A_203 : vector<16xi32>
    %swap3A_205 = arith.constant 128 : index
    %swap3A_206 = tpu.vector_load %arg10[%swap3A_205] {strides = array<i32>} : memref<256xi32, #tpu.memory_space<vmem>>, vector<16xi32>,
    tpu.vector_store %arg10[%swap3A_205], %shift_right_logical3A_204 {strides = array<i32>} : memref<256xi32, #tpu.memory_space<vmem>>, vector<16xi32>,
    %get3A_207 = arith.constant 128 : index
    %get3A_208 = tpu.vector_load %arg9[%get3A_207] {strides = array<i32>} : memref<512xi32, #tpu.memory_space<vmem>>, vector<16xi32>,
    %shift_right_logical3A_209 = arith.constant 3 : i32
    %shift_right_logical3A_210 = vector.broadcast %shift_right_logical3A_209 : i32 to vector<16xi32>
    %shift_right_logical3A_211 = arith.shrui %get3A_208, %shift_right_logical3A_210 : vector<16xi32>
    %add3A_212 = arith.constant 62500 : i32
    %add3A_213 = vector.broadcast %add3A_212 : i32 to vector<16xi32>
    %add3A_214 = arith.addi %shift_right_logical3A_211, %add3A_213 : vector<16xi32>
    %swap3A_215 = arith.constant 128 : index
    %swap3A_216 = tpu.vector_load %arg11[%swap3A_215] {strides = array<i32>} : memref<256xi32, #tpu.memory_space<vmem>>, vector<16xi32>,
    tpu.vector_store %arg11[%swap3A_215], %add3A_214 {strides = array<i32>} : memref<256xi32, #tpu.memory_space<vmem>>, vector<16xi32>,
    %get3A_217 = arith.constant 144 : index
    %get3A_218 = tpu.vector_load %arg8[%get3A_217] {strides = array<i32>} : memref<512xi32, #tpu.memory_space<vmem>>, vector<16xi32>,
    %shift_right_logical3A_219 = arith.constant 3 : i32
    %shift_right_logical3A_220 = vector.broadcast %shift_right_logical3A_219 : i32 to vector<16xi32>
    %shift_right_logical3A_221 = arith.shrui %get3A_218, %shift_right_logical3A_220 : vector<16xi32>
    %swap3A_222 = arith.constant 144 : index
    %swap3A_223 = tpu.vector_load %arg10[%swap3A_222] {strides = array<i32>} : memref<256xi32, #tpu.memory_space<vmem>>, vector<16xi32>,
    tpu.vector_store %arg10[%swap3A_222], %shift_right_logical3A_221 {strides = array<i32>} : memref<256xi32, #tpu.memory_space<vmem>>, vector<16xi32>,
    %get3A_224 = arith.constant 144 : index
    %get3A_225 = tpu.vector_load %arg9[%get3A_224] {strides = array<i32>} : memref<512xi32, #tpu.memory_space<vmem>>, vector<16xi32>,
    %shift_right_logical3A_226 = arith.constant 3 : i32
    %shift_right_logical3A_227 = vector.broadcast %shift_right_logical3A_226 : i32 to vector<16xi32>
    %shift_right_logical3A_228 = arith.shrui %get3A_225, %shift_right_logical3A_227 : vector<16xi32>
    %add3A_229 = arith.constant 62500 : i32
    %add3A_230 = vector.broadcast %add3A_229 : i32 to vector<16xi32>
    %add3A_231 = arith.addi %shift_right_logical3A_228, %add3A_230 : vector<16xi32>
    %swap3A_232 = arith.constant 144 : index
    %swap3A_233 = tpu.vector_load %arg11[%swap3A_232] {strides = array<i32>} : memref<256xi32, #tpu.memory_space<vmem>>, vector<16xi32>,
    tpu.vector_store %arg11[%swap3A_232], %add3A_231 {strides = array<i32>} : memref<256xi32, #tpu.memory_space<vmem>>, vector<16xi32>,
    %get3A_234 = arith.constant 160 : index
    %get3A_235 = tpu.vector_load %arg8[%get3A_234] {strides = array<i32>} : memref<512xi32, #tpu.memory_space<vmem>>, vector<16xi32>,
    %shift_right_logical3A_236 = arith.constant 3 : i32
    %shift_right_logical3A_237 = vector.broadcast %shift_right_logical3A_236 : i32 to vector<16xi32>
    %shift_right_logical3A_238 = arith.shrui %get3A_235, %shift_right_logical3A_237 : vector<16xi32>
    %swap3A_239 = arith.constant 160 : index
    %swap3A_240 = tpu.vector_load %arg10[%swap3A_239] {strides = array<i32>} : memref<256xi32, #tpu.memory_space<vmem>>, vector<16xi32>,
    tpu.vector_store %arg10[%swap3A_239], %shift_right_logical3A_238 {strides = array<i32>} : memref<256xi32, #tpu.memory_space<vmem>>, vector<16xi32>,
    %get3A_241 = arith.constant 160 : index
    %get3A_242 = tpu.vector_load %arg9[%get3A_241] {strides = array<i32>} : memref<512xi32, #tpu.memory_space<vmem>>, vector<16xi32>,
    %shift_right_logical3A_243 = arith.constant 3 : i32
    %shift_right_logical3A_244 = vector.broadcast %shift_right_logical3A_243 : i32 to vector<16xi32>
    %shift_right_logical3A_245 = arith.shrui %get3A_242, %shift_right_logical3A_244 : vector<16xi32>
    %add3A_246 = arith.constant 62500 : i32
    %add3A_247 = vector.broadcast %add3A_246 : i32 to vector<16xi32>
    %add3A_248 = arith.addi %shift_right_logical3A_245, %add3A_247 : vector<16xi32>
    %swap3A_249 = arith.constant 160 : index
    %swap3A_250 = tpu.vector_load %arg11[%swap3A_249] {strides = array<i32>} : memref<256xi32, #tpu.memory_space<vmem>>, vector<16xi32>,
    tpu.vector_store %arg11[%swap3A_249], %add3A_248 {strides = array<i32>} : memref<256xi32, #tpu.memory_space<vmem>>, vector<16xi32>,
    %get3A_251 = arith.constant 176 : index
    %get3A_252 = tpu.vector_load %arg8[%get3A_251] {strides = array<i32>} : memref<512xi32, #tpu.memory_space<vmem>>, vector<16xi32>,
    %shift_right_logical3A_253 = arith.constant 3 : i32
    %shift_right_logical3A_254 = vector.broadcast %shift_right_logical3A_253 : i32 to vector<16xi32>
    %shift_right_logical3A_255 = arith.shrui %get3A_252, %shift_right_logical3A_254 : vector<16xi32>
    %swap3A_256 = arith.constant 176 : index
    %swap3A_257 = tpu.vector_load %arg10[%swap3A_256] {strides = array<i32>} : memref<256xi32, #tpu.memory_space<vmem>>, vector<16xi32>,
    tpu.vector_store %arg10[%swap3A_256], %shift_right_logical3A_255 {strides = array<i32>} : memref<256xi32, #tpu.memory_space<vmem>>, vector<16xi32>,
    %get3A_258 = arith.constant 176 : index
    %get3A_259 = tpu.vector_load %arg9[%get3A_258] {strides = array<i32>} : memref<512xi32, #tpu.memory_space<vmem>>, vector<16xi32>,
    %shift_right_logical3A_260 = arith.constant 3 : i32
    %shift_right_logical3A_261 = vector.broadcast %shift_right_logical3A_260 : i32 to vector<16xi32>
    %shift_right_logical3A_262 = arith.shrui %get3A_259, %shift_right_logical3A_261 : vector<16xi32>
    %add3A_263 = arith.constant 62500 : i32
    %add3A_264 = vector.broadcast %add3A_263 : i32 to vector<16xi32>
    %add3A_265 = arith.addi %shift_right_logical3A_262, %add3A_264 : vector<16xi32>
    %swap3A_266 = arith.constant 176 : index
    %swap3A_267 = tpu.vector_load %arg11[%swap3A_266] {strides = array<i32>} : memref<256xi32, #tpu.memory_space<vmem>>, vector<16xi32>,
    tpu.vector_store %arg11[%swap3A_266], %add3A_265 {strides = array<i32>} : memref<256xi32, #tpu.memory_space<vmem>>, vector<16xi32>,
    %get3A_268 = arith.constant 192 : index
    %get3A_269 = tpu.vector_load %arg8[%get3A_268] {strides = array<i32>} : memref<512xi32, #tpu.memory_space<vmem>>, vector<16xi32>,
    %shift_right_logical3A_270 = arith.constant 3 : i32
    %shift_right_logical3A_271 = vector.broadcast %shift_right_logical3A_270 : i32 to vector<16xi32>
    %shift_right_logical3A_272 = arith.shrui %get3A_269, %shift_right_logical3A_271 : vector<16xi32>
    %swap3A_273 = arith.constant 192 : index
    %swap3A_274 = tpu.vector_load %arg10[%swap3A_273] {strides = array<i32>} : memref<256xi32, #tpu.memory_space<vmem>>, vector<16xi32>,
    tpu.vector_store %arg10[%swap3A_273], %shift_right_logical3A_272 {strides = array<i32>} : memref<256xi32, #tpu.memory_space<vmem>>, vector<16xi32>,
    %get3A_275 = arith.constant 192 : index
    %get3A_276 = tpu.vector_load %arg9[%get3A_275] {strides = array<i32>} : memref<512xi32, #tpu.memory_space<vmem>>, vector<16xi32>,
    %shift_right_logical3A_277 = arith.constant 3 : i32
    %shift_right_logical3A_278 = vector.broadcast %shift_right_logical3A_277 : i32 to vector<16xi32>
    %shift_right_logical3A_279 = arith.shrui %get3A_276, %shift_right_logical3A_278 : vector<16xi32>
    %add3A_280 = arith.constant 62500 : i32
    %add3A_281 = vector.broadcast %add3A_280 : i32 to vector<16xi32>
    %add3A_282 = arith.addi %shift_right_logical3A_279, %add3A_281 : vector<16xi32>
    %swap3A_283 = arith.constant 192 : index
    %swap3A_284 = tpu.vector_load %arg11[%swap3A_283] {strides = array<i32>} : memref<256xi32, #tpu.memory_space<vmem>>, vector<16xi32>,
    tpu.vector_store %arg11[%swap3A_283], %add3A_282 {strides = array<i32>} : memref<256xi32, #tpu.memory_space<vmem>>, vector<16xi32>,
    %get3A_285 = arith.constant 208 : index
    %get3A_286 = tpu.vector_load %arg8[%get3A_285] {strides = array<i32>} : memref<512xi32, #tpu.memory_space<vmem>>, vector<16xi32>,
    %shift_right_logical3A_287 = arith.constant 3 : i32
    %shift_right_logical3A_288 = vector.broadcast %shift_right_logical3A_287 : i32 to vector<16xi32>
    %shift_right_logical3A_289 = arith.shrui %get3A_286, %shift_right_logical3A_288 : vector<16xi32>
    %swap3A_290 = arith.constant 208 : index
    %swap3A_291 = tpu.vector_load %arg10[%swap3A_290] {strides = array<i32>} : memref<256xi32, #tpu.memory_space<vmem>>, vector<16xi32>,
    tpu.vector_store %arg10[%swap3A_290], %shift_right_logical3A_289 {strides = array<i32>} : memref<256xi32, #tpu.memory_space<vmem>>, vector<16xi32>,
    %get3A_292 = arith.constant 208 : index
    %get3A_293 = tpu.vector_load %arg9[%get3A_292] {strides = array<i32>} : memref<512xi32, #tpu.memory_space<vmem>>, vector<16xi32>,
    %shift_right_logical3A_294 = arith.constant 3 : i32
    %shift_right_logical3A_295 = vector.broadcast %shift_right_logical3A_294 : i32 to vector<16xi32>
    %shift_right_logical3A_296 = arith.shrui %get3A_293, %shift_right_logical3A_295 : vector<16xi32>
    %add3A_297 = arith.constant 62500 : i32
    %add3A_298 = vector.broadcast %add3A_297 : i32 to vector<16xi32>
    %add3A_299 = arith.addi %shift_right_logical3A_296, %add3A_298 : vector<16xi32>
    %swap3A_300 = arith.constant 208 : index
    %swap3A_301 = tpu.vector_load %arg11[%swap3A_300] {strides = array<i32>} : memref<256xi32, #tpu.memory_space<vmem>>, vector<16xi32>,
    tpu.vector_store %arg11[%swap3A_300], %add3A_299 {strides = array<i32>} : memref<256xi32, #tpu.memory_space<vmem>>, vector<16xi32>,
    %get3A_302 = arith.constant 224 : index
    %get3A_303 = tpu.vector_load %arg8[%get3A_302] {strides = array<i32>} : memref<512xi32, #tpu.memory_space<vmem>>, vector<16xi32>,
    %shift_right_logical3A_304 = arith.constant 3 : i32
    %shift_right_logical3A_305 = vector.broadcast %shift_right_logical3A_304 : i32 to vector<16xi32>
    %shift_right_logical3A_306 = arith.shrui %get3A_303, %shift_right_logical3A_305 : vector<16xi32>
    %swap3A_307 = arith.constant 224 : index
    %swap3A_308 = tpu.vector_load %arg10[%swap3A_307] {strides = array<i32>} : memref<256xi32, #tpu.memory_space<vmem>>, vector<16xi32>,
    tpu.vector_store %arg10[%swap3A_307], %shift_right_logical3A_306 {strides = array<i32>} : memref<256xi32, #tpu.memory_space<vmem>>, vector<16xi32>,
    %get3A_309 = arith.constant 224 : index
    %get3A_310 = tpu.vector_load %arg9[%get3A_309] {strides = array<i32>} : memref<512xi32, #tpu.memory_space<vmem>>, vector<16xi32>,
    %shift_right_logical3A_311 = arith.constant 3 : i32
    %shift_right_logical3A_312 = vector.broadcast %shift_right_logical3A_311 : i32 to vector<16xi32>
    %shift_right_logical3A_313 = arith.shrui %get3A_310, %shift_right_logical3A_312 : vector<16xi32>
    %add3A_314 = arith.constant 62500 : i32
    %add3A_315 = vector.broadcast %add3A_314 : i32 to vector<16xi32>
    %add3A_316 = arith.addi %shift_right_logical3A_313, %add3A_315 : vector<16xi32>
    %swap3A_317 = arith.constant 224 : index
    %swap3A_318 = tpu.vector_load %arg11[%swap3A_317] {strides = array<i32>} : memref<256xi32, #tpu.memory_space<vmem>>, vector<16xi32>,
    tpu.vector_store %arg11[%swap3A_317], %add3A_316 {strides = array<i32>} : memref<256xi32, #tpu.memory_space<vmem>>, vector<16xi32>,
    %get3A_319 = arith.constant 240 : index
    %get3A_320 = tpu.vector_load %arg8[%get3A_319] {strides = array<i32>} : memref<512xi32, #tpu.memory_space<vmem>>, vector<16xi32>,
    %shift_right_logical3A_321 = arith.constant 3 : i32
    %shift_right_logical3A_322 = vector.broadcast %shift_right_logical3A_321 : i32 to vector<16xi32>
    %shift_right_logical3A_323 = arith.shrui %get3A_320, %shift_right_logical3A_322 : vector<16xi32>
    %swap3A_324 = arith.constant 240 : index
    %swap3A_325 = tpu.vector_load %arg10[%swap3A_324] {strides = array<i32>} : memref<256xi32, #tpu.memory_space<vmem>>, vector<16xi32>,
    tpu.vector_store %arg10[%swap3A_324], %shift_right_logical3A_323 {strides = array<i32>} : memref<256xi32, #tpu.memory_space<vmem>>, vector<16xi32>,
    %get3A_326 = arith.constant 240 : index
    %get3A_327 = tpu.vector_load %arg9[%get3A_326] {strides = array<i32>} : memref<512xi32, #tpu.memory_space<vmem>>, vector<16xi32>,
    %shift_right_logical3A_328 = arith.constant 3 : i32
    %shift_right_logical3A_329 = vector.broadcast %shift_right_logical3A_328 : i32 to vector<16xi32>
    %shift_right_logical3A_330 = arith.shrui %get3A_327, %shift_right_logical3A_329 : vector<16xi32>
    %add3A_331 = arith.constant 62500 : i32
    %add3A_332 = vector.broadcast %add3A_331 : i32 to vector<16xi32>
    %add3A_333 = arith.addi %shift_right_logical3A_330, %add3A_332 : vector<16xi32>
    %swap3A_334 = arith.constant 240 : index
    %swap3A_335 = tpu.vector_load %arg11[%swap3A_334] {strides = array<i32>} : memref<256xi32, #tpu.memory_space<vmem>>, vector<16xi32>,
    tpu.vector_store %arg11[%swap3A_334], %add3A_333 {strides = array<i32>} : memref<256xi32, #tpu.memory_space<vmem>>, vector<16xi32>,
    %dma_start3A = arith.constant 0 : i32
    %dma_start3A_336 = arith.constant 0 : i32
    %dma_start3A_337 = tpu.memref_slice %arg2[%dma_start3A, %dma_start3A_336] : memref<125000x128xf32, #tpu.memory_space<hbm>> -> memref<125000x128xf32, #tpu.memory_space<hbm>>
    tpu.enqueue_indirect_dma source(%dma_start3A_337 : memref<125000x128xf32, #tpu.memory_space<hbm>>) target(%arg12 : memref<256x128xf32, #tpu.memory_space<vmem>>) offsets(%arg10 : memref<256xi32, #tpu.memory_space<vmem>>) semaphore(%arg17 : memref<!tpu.dma_semaphore, #tpu.memory_space<semaphore_mem>>)
    %dma_start3A_338 = arith.constant 0 : i32
    %dma_start3A_339 = arith.constant 0 : i32
    %dma_start3A_340 = tpu.memref_slice %arg2[%dma_start3A_338, %dma_start3A_339] : memref<125000x128xf32, #tpu.memory_space<hbm>> -> memref<125000x128xf32, #tpu.memory_space<hbm>>
    tpu.enqueue_indirect_dma source(%dma_start3A_340 : memref<125000x128xf32, #tpu.memory_space<hbm>>) target(%arg13 : memref<256x128xf32, #tpu.memory_space<vmem>>) offsets(%arg11 : memref<256xi32, #tpu.memory_space<vmem>>) semaphore(%arg17 : memref<!tpu.dma_semaphore, #tpu.memory_space<semaphore_mem>>)
    %dma_wait3A = arith.constant 0 : i32
    %dma_wait3A_341 = arith.constant 0 : i32
    %dma_wait3A_342 = tpu.memref_slice %arg2[%dma_wait3A, %dma_wait3A_341] : memref<125000x128xf32, #tpu.memory_space<hbm>> -> memref<125000x128xf32, #tpu.memory_space<hbm>>
    tpu.wait_indirect_dma semaphore(%arg17 : memref<!tpu.dma_semaphore, #tpu.memory_space<semaphore_mem>>) src(%dma_wait3A_342 : memref<125000x128xf32, #tpu.memory_space<hbm>>) dst(%arg12 : memref<256x128xf32, #tpu.memory_space<vmem>>)
    %dma_wait3A_343 = arith.constant 0 : i32
    %dma_wait3A_344 = arith.constant 0 : i32
    %dma_wait3A_345 = tpu.memref_slice %arg2[%dma_wait3A_343, %dma_wait3A_344] : memref<125000x128xf32, #tpu.memory_space<hbm>> -> memref<125000x128xf32, #tpu.memory_space<hbm>>
    tpu.wait_indirect_dma semaphore(%arg17 : memref<!tpu.dma_semaphore, #tpu.memory_space<semaphore_mem>>) src(%dma_wait3A_345 : memref<125000x128xf32, #tpu.memory_space<hbm>>) dst(%arg13 : memref<256x128xf32, #tpu.memory_space<vmem>>)
    %scan3A = arith.constant 0 : i32
    %scan3A_346 = arith.constant 0 : i32
    %scan3A_347 = arith.constant 16 : i32
    %scan3A_348 = arith.addi %scan3A_346, %scan3A_347 : i32
    %scan3A_349 = arith.constant 1 : i32
    scf.for %scan3A_641 = %scan3A_346 to %scan3A_348 step %scan3A_349  : i32 {
      %mul3A_642 = arith.constant 16 : i32
      %mul3A_643 = arith.muli %scan3A_641, %mul3A_642 : i32
      %add3A_644 = vector.broadcast %mul3A_643 : i32 to vector<16xi32>
      %add3A_645 = arith.addi %add3A_644, %iota3A : vector<16xi32>
      %mul3A_646 = arith.constant 16 : i32
      %mul3A_647 = arith.muli %scan3A_641, %mul3A_646 : i32
      %add3A_648 = arith.constant 0 : i32
      %add3A_649 = arith.addi %add3A_648, %mul3A_647 : i32
      %get3A_650 = arith.index_cast %add3A_649 : i32 to index
      %get3A_651 = tpu.vector_load %arg8[%get3A_650] {strides = array<i32>} : memref<512xi32, #tpu.memory_space<vmem>>, vector<16xi32>,
      %mul3A_652 = arith.constant 16 : i32
      %mul3A_653 = arith.muli %scan3A_641, %mul3A_652 : i32
      %add3A_654 = arith.constant 0 : i32
      %add3A_655 = arith.addi %add3A_654, %mul3A_653 : i32
      %get3A_656 = arith.index_cast %add3A_655 : i32 to index
      %get3A_657 = tpu.vector_load %arg9[%get3A_656] {strides = array<i32>} : memref<512xi32, #tpu.memory_space<vmem>>, vector<16xi32>,
      %and3A = arith.constant 7 : i32
      %and3A_658 = vector.broadcast %and3A : i32 to vector<16xi32>
      %and3A_659 = arith.andi %get3A_651, %and3A_658 : vector<16xi32>
      %shift_left3A = arith.constant 4 : i32
      %shift_left3A_660 = vector.broadcast %shift_left3A : i32 to vector<16xi32>
      %shift_left3A_661 = arith.shli %and3A_659, %shift_left3A_660 : vector<16xi32>
      %and3A_662 = arith.constant 7 : i32
      %and3A_663 = vector.broadcast %and3A_662 : i32 to vector<16xi32>
      %and3A_664 = arith.andi %get3A_657, %and3A_663 : vector<16xi32>
      %shift_left3A_665 = arith.constant 4 : i32
      %shift_left3A_666 = vector.broadcast %shift_left3A_665 : i32 to vector<16xi32>
      %shift_left3A_667 = arith.shli %and3A_664, %shift_left3A_666 : vector<16xi32>
      %broadcast_in_dim3A_668 = arith.constant 0.000000e+00 : f32
      %broadcast_in_dim3A_669 = vector.broadcast %broadcast_in_dim3A_668 : f32 to vector<16xf32>
      %broadcast_in_dim3A_670 = arith.constant 0.000000e+00 : f32
      %broadcast_in_dim3A_671 = vector.broadcast %broadcast_in_dim3A_670 : f32 to vector<16xf32>
      %add3A_672 = arith.constant 0 : i32
      %add3A_673 = vector.broadcast %add3A_672 : i32 to vector<16xi32>
      %add3A_674 = arith.addi %shift_left3A_661, %add3A_673 : vector<16xi32>
      %gather3A_675 = tpu.vector_load_idx %arg12[%add3A_645, %add3A_674] : memref<256x128xf32, #tpu.memory_space<vmem>>[vector<16xi32>, vector<16xi32>], vector<16xf32>,
      %add3A_676 = arith.constant 0 : i32
      %add3A_677 = vector.broadcast %add3A_676 : i32 to vector<16xi32>
      %add3A_678 = arith.addi %shift_left3A_667, %add3A_677 : vector<16xi32>
      %gather3A_679 = tpu.vector_load_idx %arg13[%add3A_645, %add3A_678] : memref<256x128xf32, #tpu.memory_space<vmem>>[vector<16xi32>, vector<16xi32>], vector<16xf32>,
      %mul3A_680 = arith.mulf %gather3A_675, %gather3A_679 : vector<16xf32>
      %mul3A_681 = arith.mulf %mul3A_680, %gather3A_5 : vector<16xf32>
      %add3A_682 = arith.addf %broadcast_in_dim3A_669, %mul3A_681 : vector<16xf32>
      %mul3A_683 = arith.mulf %mul3A_681, %mul3A_681 : vector<16xf32>
      %add3A_684 = arith.addf %broadcast_in_dim3A_671, %mul3A_683 : vector<16xf32>
      %add3A_685 = arith.constant 1 : i32
      %add3A_686 = vector.broadcast %add3A_685 : i32 to vector<16xi32>
      %add3A_687 = arith.addi %shift_left3A_661, %add3A_686 : vector<16xi32>
      %gather3A_688 = tpu.vector_load_idx %arg12[%add3A_645, %add3A_687] : memref<256x128xf32, #tpu.memory_space<vmem>>[vector<16xi32>, vector<16xi32>], vector<16xf32>,
      %add3A_689 = arith.constant 1 : i32
      %add3A_690 = vector.broadcast %add3A_689 : i32 to vector<16xi32>
      %add3A_691 = arith.addi %shift_left3A_667, %add3A_690 : vector<16xi32>
      %gather3A_692 = tpu.vector_load_idx %arg13[%add3A_645, %add3A_691] : memref<256x128xf32, #tpu.memory_space<vmem>>[vector<16xi32>, vector<16xi32>], vector<16xf32>,
      %mul3A_693 = arith.mulf %gather3A_688, %gather3A_692 : vector<16xf32>
      %mul3A_694 = arith.mulf %mul3A_693, %gather3A_9 : vector<16xf32>
      %add3A_695 = arith.addf %add3A_682, %mul3A_694 : vector<16xf32>
      %mul3A_696 = arith.mulf %mul3A_694, %mul3A_694 : vector<16xf32>
      %add3A_697 = arith.addf %add3A_684, %mul3A_696 : vector<16xf32>
      %add3A_698 = arith.constant 2 : i32
      %add3A_699 = vector.broadcast %add3A_698 : i32 to vector<16xi32>
      %add3A_700 = arith.addi %shift_left3A_661, %add3A_699 : vector<16xi32>
      %gather3A_701 = tpu.vector_load_idx %arg12[%add3A_645, %add3A_700] : memref<256x128xf32, #tpu.memory_space<vmem>>[vector<16xi32>, vector<16xi32>], vector<16xf32>,
      %add3A_702 = arith.constant 2 : i32
      %add3A_703 = vector.broadcast %add3A_702 : i32 to vector<16xi32>
      %add3A_704 = arith.addi %shift_left3A_667, %add3A_703 : vector<16xi32>
      %gather3A_705 = tpu.vector_load_idx %arg13[%add3A_645, %add3A_704] : memref<256x128xf32, #tpu.memory_space<vmem>>[vector<16xi32>, vector<16xi32>], vector<16xf32>,
      %mul3A_706 = arith.mulf %gather3A_701, %gather3A_705 : vector<16xf32>
      %mul3A_707 = arith.mulf %mul3A_706, %gather3A_13 : vector<16xf32>
      %add3A_708 = arith.addf %add3A_695, %mul3A_707 : vector<16xf32>
      %mul3A_709 = arith.mulf %mul3A_707, %mul3A_707 : vector<16xf32>
      %add3A_710 = arith.addf %add3A_697, %mul3A_709 : vector<16xf32>
      %add3A_711 = arith.constant 3 : i32
      %add3A_712 = vector.broadcast %add3A_711 : i32 to vector<16xi32>
      %add3A_713 = arith.addi %shift_left3A_661, %add3A_712 : vector<16xi32>
      %gather3A_714 = tpu.vector_load_idx %arg12[%add3A_645, %add3A_713] : memref<256x128xf32, #tpu.memory_space<vmem>>[vector<16xi32>, vector<16xi32>], vector<16xf32>,
      %add3A_715 = arith.constant 3 : i32
      %add3A_716 = vector.broadcast %add3A_715 : i32 to vector<16xi32>
      %add3A_717 = arith.addi %shift_left3A_667, %add3A_716 : vector<16xi32>
      %gather3A_718 = tpu.vector_load_idx %arg13[%add3A_645, %add3A_717] : memref<256x128xf32, #tpu.memory_space<vmem>>[vector<16xi32>, vector<16xi32>], vector<16xf32>,
      %mul3A_719 = arith.mulf %gather3A_714, %gather3A_718 : vector<16xf32>
      %mul3A_720 = arith.mulf %mul3A_719, %gather3A_17 : vector<16xf32>
      %add3A_721 = arith.addf %add3A_708, %mul3A_720 : vector<16xf32>
      %mul3A_722 = arith.mulf %mul3A_720, %mul3A_720 : vector<16xf32>
      %add3A_723 = arith.addf %add3A_710, %mul3A_722 : vector<16xf32>
      %add3A_724 = arith.constant 4 : i32
      %add3A_725 = vector.broadcast %add3A_724 : i32 to vector<16xi32>
      %add3A_726 = arith.addi %shift_left3A_661, %add3A_725 : vector<16xi32>
      %gather3A_727 = tpu.vector_load_idx %arg12[%add3A_645, %add3A_726] : memref<256x128xf32, #tpu.memory_space<vmem>>[vector<16xi32>, vector<16xi32>], vector<16xf32>,
      %add3A_728 = arith.constant 4 : i32
      %add3A_729 = vector.broadcast %add3A_728 : i32 to vector<16xi32>
      %add3A_730 = arith.addi %shift_left3A_667, %add3A_729 : vector<16xi32>
      %gather3A_731 = tpu.vector_load_idx %arg13[%add3A_645, %add3A_730] : memref<256x128xf32, #tpu.memory_space<vmem>>[vector<16xi32>, vector<16xi32>], vector<16xf32>,
      %mul3A_732 = arith.mulf %gather3A_727, %gather3A_731 : vector<16xf32>
      %mul3A_733 = arith.mulf %mul3A_732, %gather3A_21 : vector<16xf32>
      %add3A_734 = arith.addf %add3A_721, %mul3A_733 : vector<16xf32>
      %mul3A_735 = arith.mulf %mul3A_733, %mul3A_733 : vector<16xf32>
      %add3A_736 = arith.addf %add3A_723, %mul3A_735 : vector<16xf32>
      %add3A_737 = arith.constant 5 : i32
      %add3A_738 = vector.broadcast %add3A_737 : i32 to vector<16xi32>
      %add3A_739 = arith.addi %shift_left3A_661, %add3A_738 : vector<16xi32>
      %gather3A_740 = tpu.vector_load_idx %arg12[%add3A_645, %add3A_739] : memref<256x128xf32, #tpu.memory_space<vmem>>[vector<16xi32>, vector<16xi32>], vector<16xf32>,
      %add3A_741 = arith.constant 5 : i32
      %add3A_742 = vector.broadcast %add3A_741 : i32 to vector<16xi32>
      %add3A_743 = arith.addi %shift_left3A_667, %add3A_742 : vector<16xi32>
      %gather3A_744 = tpu.vector_load_idx %arg13[%add3A_645, %add3A_743] : memref<256x128xf32, #tpu.memory_space<vmem>>[vector<16xi32>, vector<16xi32>], vector<16xf32>,
      %mul3A_745 = arith.mulf %gather3A_740, %gather3A_744 : vector<16xf32>
      %mul3A_746 = arith.mulf %mul3A_745, %gather3A_25 : vector<16xf32>
      %add3A_747 = arith.addf %add3A_734, %mul3A_746 : vector<16xf32>
      %mul3A_748 = arith.mulf %mul3A_746, %mul3A_746 : vector<16xf32>
      %add3A_749 = arith.addf %add3A_736, %mul3A_748 : vector<16xf32>
      %add3A_750 = arith.constant 6 : i32
      %add3A_751 = vector.broadcast %add3A_750 : i32 to vector<16xi32>
      %add3A_752 = arith.addi %shift_left3A_661, %add3A_751 : vector<16xi32>
      %gather3A_753 = tpu.vector_load_idx %arg12[%add3A_645, %add3A_752] : memref<256x128xf32, #tpu.memory_space<vmem>>[vector<16xi32>, vector<16xi32>], vector<16xf32>,
      %add3A_754 = arith.constant 6 : i32
      %add3A_755 = vector.broadcast %add3A_754 : i32 to vector<16xi32>
      %add3A_756 = arith.addi %shift_left3A_667, %add3A_755 : vector<16xi32>
      %gather3A_757 = tpu.vector_load_idx %arg13[%add3A_645, %add3A_756] : memref<256x128xf32, #tpu.memory_space<vmem>>[vector<16xi32>, vector<16xi32>], vector<16xf32>,
      %mul3A_758 = arith.mulf %gather3A_753, %gather3A_757 : vector<16xf32>
      %mul3A_759 = arith.mulf %mul3A_758, %gather3A_29 : vector<16xf32>
      %add3A_760 = arith.addf %add3A_747, %mul3A_759 : vector<16xf32>
      %mul3A_761 = arith.mulf %mul3A_759, %mul3A_759 : vector<16xf32>
      %add3A_762 = arith.addf %add3A_749, %mul3A_761 : vector<16xf32>
      %add3A_763 = arith.constant 7 : i32
      %add3A_764 = vector.broadcast %add3A_763 : i32 to vector<16xi32>
      %add3A_765 = arith.addi %shift_left3A_661, %add3A_764 : vector<16xi32>
      %gather3A_766 = tpu.vector_load_idx %arg12[%add3A_645, %add3A_765] : memref<256x128xf32, #tpu.memory_space<vmem>>[vector<16xi32>, vector<16xi32>], vector<16xf32>,
      %add3A_767 = arith.constant 7 : i32
      %add3A_768 = vector.broadcast %add3A_767 : i32 to vector<16xi32>
      %add3A_769 = arith.addi %shift_left3A_667, %add3A_768 : vector<16xi32>
      %gather3A_770 = tpu.vector_load_idx %arg13[%add3A_645, %add3A_769] : memref<256x128xf32, #tpu.memory_space<vmem>>[vector<16xi32>, vector<16xi32>], vector<16xf32>,
      %mul3A_771 = arith.mulf %gather3A_766, %gather3A_770 : vector<16xf32>
      %mul3A_772 = arith.mulf %mul3A_771, %gather3A_33 : vector<16xf32>
      %add3A_773 = arith.addf %add3A_760, %mul3A_772 : vector<16xf32>
      %mul3A_774 = arith.mulf %mul3A_772, %mul3A_772 : vector<16xf32>
      %add3A_775 = arith.addf %add3A_762, %mul3A_774 : vector<16xf32>
      %add3A_776 = arith.constant 8 : i32
      %add3A_777 = vector.broadcast %add3A_776 : i32 to vector<16xi32>
      %add3A_778 = arith.addi %shift_left3A_661, %add3A_777 : vector<16xi32>
      %gather3A_779 = tpu.vector_load_idx %arg12[%add3A_645, %add3A_778] : memref<256x128xf32, #tpu.memory_space<vmem>>[vector<16xi32>, vector<16xi32>], vector<16xf32>,
      %add3A_780 = arith.constant 8 : i32
      %add3A_781 = vector.broadcast %add3A_780 : i32 to vector<16xi32>
      %add3A_782 = arith.addi %shift_left3A_667, %add3A_781 : vector<16xi32>
      %gather3A_783 = tpu.vector_load_idx %arg13[%add3A_645, %add3A_782] : memref<256x128xf32, #tpu.memory_space<vmem>>[vector<16xi32>, vector<16xi32>], vector<16xf32>,
      %mul3A_784 = arith.mulf %gather3A_779, %gather3A_783 : vector<16xf32>
      %mul3A_785 = arith.mulf %mul3A_784, %gather3A_37 : vector<16xf32>
      %add3A_786 = arith.addf %add3A_773, %mul3A_785 : vector<16xf32>
      %mul3A_787 = arith.mulf %mul3A_785, %mul3A_785 : vector<16xf32>
      %add3A_788 = arith.addf %add3A_775, %mul3A_787 : vector<16xf32>
      %add3A_789 = arith.constant 9 : i32
      %add3A_790 = vector.broadcast %add3A_789 : i32 to vector<16xi32>
      %add3A_791 = arith.addi %shift_left3A_661, %add3A_790 : vector<16xi32>
      %gather3A_792 = tpu.vector_load_idx %arg12[%add3A_645, %add3A_791] : memref<256x128xf32, #tpu.memory_space<vmem>>[vector<16xi32>, vector<16xi32>], vector<16xf32>,
      %add3A_793 = arith.constant 9 : i32
      %add3A_794 = vector.broadcast %add3A_793 : i32 to vector<16xi32>
      %add3A_795 = arith.addi %shift_left3A_667, %add3A_794 : vector<16xi32>
      %gather3A_796 = tpu.vector_load_idx %arg13[%add3A_645, %add3A_795] : memref<256x128xf32, #tpu.memory_space<vmem>>[vector<16xi32>, vector<16xi32>], vector<16xf32>,
      %mul3A_797 = arith.mulf %gather3A_792, %gather3A_796 : vector<16xf32>
      %mul3A_798 = arith.mulf %mul3A_797, %gather3A_41 : vector<16xf32>
      %add3A_799 = arith.addf %add3A_786, %mul3A_798 : vector<16xf32>
      %mul3A_800 = arith.mulf %mul3A_798, %mul3A_798 : vector<16xf32>
      %add3A_801 = arith.addf %add3A_788, %mul3A_800 : vector<16xf32>
      %add3A_802 = arith.constant 10 : i32
      %add3A_803 = vector.broadcast %add3A_802 : i32 to vector<16xi32>
      %add3A_804 = arith.addi %shift_left3A_661, %add3A_803 : vector<16xi32>
      %gather3A_805 = tpu.vector_load_idx %arg12[%add3A_645, %add3A_804] : memref<256x128xf32, #tpu.memory_space<vmem>>[vector<16xi32>, vector<16xi32>], vector<16xf32>,
      %add3A_806 = arith.constant 10 : i32
      %add3A_807 = vector.broadcast %add3A_806 : i32 to vector<16xi32>
      %add3A_808 = arith.addi %shift_left3A_667, %add3A_807 : vector<16xi32>
      %gather3A_809 = tpu.vector_load_idx %arg13[%add3A_645, %add3A_808] : memref<256x128xf32, #tpu.memory_space<vmem>>[vector<16xi32>, vector<16xi32>], vector<16xf32>,
      %mul3A_810 = arith.mulf %gather3A_805, %gather3A_809 : vector<16xf32>
      %mul3A_811 = arith.mulf %mul3A_810, %gather3A_45 : vector<16xf32>
      %add3A_812 = arith.addf %add3A_799, %mul3A_811 : vector<16xf32>
      %mul3A_813 = arith.mulf %mul3A_811, %mul3A_811 : vector<16xf32>
      %add3A_814 = arith.addf %add3A_801, %mul3A_813 : vector<16xf32>
      %add3A_815 = arith.constant 11 : i32
      %add3A_816 = vector.broadcast %add3A_815 : i32 to vector<16xi32>
      %add3A_817 = arith.addi %shift_left3A_661, %add3A_816 : vector<16xi32>
      %gather3A_818 = tpu.vector_load_idx %arg12[%add3A_645, %add3A_817] : memref<256x128xf32, #tpu.memory_space<vmem>>[vector<16xi32>, vector<16xi32>], vector<16xf32>,
      %add3A_819 = arith.constant 11 : i32
      %add3A_820 = vector.broadcast %add3A_819 : i32 to vector<16xi32>
      %add3A_821 = arith.addi %shift_left3A_667, %add3A_820 : vector<16xi32>
      %gather3A_822 = tpu.vector_load_idx %arg13[%add3A_645, %add3A_821] : memref<256x128xf32, #tpu.memory_space<vmem>>[vector<16xi32>, vector<16xi32>], vector<16xf32>,
      %mul3A_823 = arith.mulf %gather3A_818, %gather3A_822 : vector<16xf32>
      %mul3A_824 = arith.mulf %mul3A_823, %gather3A_49 : vector<16xf32>
      %add3A_825 = arith.addf %add3A_812, %mul3A_824 : vector<16xf32>
      %mul3A_826 = arith.mulf %mul3A_824, %mul3A_824 : vector<16xf32>
      %add3A_827 = arith.addf %add3A_814, %mul3A_826 : vector<16xf32>
      %add3A_828 = arith.constant 12 : i32
      %add3A_829 = vector.broadcast %add3A_828 : i32 to vector<16xi32>
      %add3A_830 = arith.addi %shift_left3A_661, %add3A_829 : vector<16xi32>
      %gather3A_831 = tpu.vector_load_idx %arg12[%add3A_645, %add3A_830] : memref<256x128xf32, #tpu.memory_space<vmem>>[vector<16xi32>, vector<16xi32>], vector<16xf32>,
      %add3A_832 = arith.constant 12 : i32
      %add3A_833 = vector.broadcast %add3A_832 : i32 to vector<16xi32>
      %add3A_834 = arith.addi %shift_left3A_667, %add3A_833 : vector<16xi32>
      %gather3A_835 = tpu.vector_load_idx %arg13[%add3A_645, %add3A_834] : memref<256x128xf32, #tpu.memory_space<vmem>>[vector<16xi32>, vector<16xi32>], vector<16xf32>,
      %mul3A_836 = arith.mulf %gather3A_831, %gather3A_835 : vector<16xf32>
      %mul3A_837 = arith.mulf %mul3A_836, %gather3A_53 : vector<16xf32>
      %add3A_838 = arith.addf %add3A_825, %mul3A_837 : vector<16xf32>
      %mul3A_839 = arith.mulf %mul3A_837, %mul3A_837 : vector<16xf32>
      %add3A_840 = arith.addf %add3A_827, %mul3A_839 : vector<16xf32>
      %add3A_841 = arith.constant 13 : i32
      %add3A_842 = vector.broadcast %add3A_841 : i32 to vector<16xi32>
      %add3A_843 = arith.addi %shift_left3A_661, %add3A_842 : vector<16xi32>
      %gather3A_844 = tpu.vector_load_idx %arg12[%add3A_645, %add3A_843] : memref<256x128xf32, #tpu.memory_space<vmem>>[vector<16xi32>, vector<16xi32>], vector<16xf32>,
      %add3A_845 = arith.constant 13 : i32
      %add3A_846 = vector.broadcast %add3A_845 : i32 to vector<16xi32>
      %add3A_847 = arith.addi %shift_left3A_667, %add3A_846 : vector<16xi32>
      %gather3A_848 = tpu.vector_load_idx %arg13[%add3A_645, %add3A_847] : memref<256x128xf32, #tpu.memory_space<vmem>>[vector<16xi32>, vector<16xi32>], vector<16xf32>,
      %mul3A_849 = arith.mulf %gather3A_844, %gather3A_848 : vector<16xf32>
      %mul3A_850 = arith.mulf %mul3A_849, %gather3A_57 : vector<16xf32>
      %add3A_851 = arith.addf %add3A_838, %mul3A_850 : vector<16xf32>
      %mul3A_852 = arith.mulf %mul3A_850, %mul3A_850 : vector<16xf32>
      %add3A_853 = arith.addf %add3A_840, %mul3A_852 : vector<16xf32>
      %add3A_854 = arith.constant 14 : i32
      %add3A_855 = vector.broadcast %add3A_854 : i32 to vector<16xi32>
      %add3A_856 = arith.addi %shift_left3A_661, %add3A_855 : vector<16xi32>
      %gather3A_857 = tpu.vector_load_idx %arg12[%add3A_645, %add3A_856] : memref<256x128xf32, #tpu.memory_space<vmem>>[vector<16xi32>, vector<16xi32>], vector<16xf32>,
      %add3A_858 = arith.constant 14 : i32
      %add3A_859 = vector.broadcast %add3A_858 : i32 to vector<16xi32>
      %add3A_860 = arith.addi %shift_left3A_667, %add3A_859 : vector<16xi32>
      %gather3A_861 = tpu.vector_load_idx %arg13[%add3A_645, %add3A_860] : memref<256x128xf32, #tpu.memory_space<vmem>>[vector<16xi32>, vector<16xi32>], vector<16xf32>,
      %mul3A_862 = arith.mulf %gather3A_857, %gather3A_861 : vector<16xf32>
      %mul3A_863 = arith.mulf %mul3A_862, %gather3A_61 : vector<16xf32>
      %add3A_864 = arith.addf %add3A_851, %mul3A_863 : vector<16xf32>
      %mul3A_865 = arith.mulf %mul3A_863, %mul3A_863 : vector<16xf32>
      %add3A_866 = arith.addf %add3A_853, %mul3A_865 : vector<16xf32>
      %add3A_867 = arith.constant 15 : i32
      %add3A_868 = vector.broadcast %add3A_867 : i32 to vector<16xi32>
      %add3A_869 = arith.addi %shift_left3A_661, %add3A_868 : vector<16xi32>
      %gather3A_870 = tpu.vector_load_idx %arg12[%add3A_645, %add3A_869] : memref<256x128xf32, #tpu.memory_space<vmem>>[vector<16xi32>, vector<16xi32>], vector<16xf32>,
      %add3A_871 = arith.constant 15 : i32
      %add3A_872 = vector.broadcast %add3A_871 : i32 to vector<16xi32>
      %add3A_873 = arith.addi %shift_left3A_667, %add3A_872 : vector<16xi32>
      %gather3A_874 = tpu.vector_load_idx %arg13[%add3A_645, %add3A_873] : memref<256x128xf32, #tpu.memory_space<vmem>>[vector<16xi32>, vector<16xi32>], vector<16xf32>,
      %mul3A_875 = arith.mulf %gather3A_870, %gather3A_874 : vector<16xf32>
      %mul3A_876 = arith.mulf %mul3A_875, %gather3A_65 : vector<16xf32>
      %add3A_877 = arith.addf %add3A_864, %mul3A_876 : vector<16xf32>
      %mul3A_878 = arith.mulf %mul3A_876, %mul3A_876 : vector<16xf32>
      %add3A_879 = arith.addf %add3A_866, %mul3A_878 : vector<16xf32>
      %mul3A_880 = arith.constant 16 : i32
      %mul3A_881 = arith.muli %scan3A_641, %mul3A_880 : i32
      %add3A_882 = arith.constant 0 : i32
      %add3A_883 = arith.addi %add3A_882, %mul3A_881 : i32
      %swap3A_884 = arith.index_cast %add3A_883 : i32 to index
      %swap3A_885 = tpu.vector_load %arg15[%swap3A_884] {strides = array<i32>} : memref<512xf32, #tpu.memory_space<vmem>>, vector<16xf32>,
      tpu.vector_store %arg15[%swap3A_884], %add3A_877 {strides = array<i32>} : memref<512xf32, #tpu.memory_space<vmem>>, vector<16xf32>,
      %mul3A_886 = arith.constant 16 : i32
      %mul3A_887 = arith.muli %scan3A_641, %mul3A_886 : i32
      %add3A_888 = arith.constant 0 : i32
      %add3A_889 = arith.addi %add3A_888, %mul3A_887 : i32
      %swap3A_890 = arith.index_cast %add3A_889 : i32 to index
      %swap3A_891 = tpu.vector_load %arg16[%swap3A_890] {strides = array<i32>} : memref<512xf32, #tpu.memory_space<vmem>>, vector<16xf32>,
      tpu.vector_store %arg16[%swap3A_890], %add3A_879 {strides = array<i32>} : memref<512xf32, #tpu.memory_space<vmem>>, vector<16xf32>,
    }
    %scan3A_350 = arith.constant 16 : i32
    %get3A_351 = arith.constant 256 : index
    %get3A_352 = tpu.vector_load %arg8[%get3A_351] {strides = array<i32>} : memref<512xi32, #tpu.memory_space<vmem>>, vector<16xi32>,
    %shift_right_logical3A_353 = arith.constant 3 : i32
    %shift_right_logical3A_354 = vector.broadcast %shift_right_logical3A_353 : i32 to vector<16xi32>
    %shift_right_logical3A_355 = arith.shrui %get3A_352, %shift_right_logical3A_354 : vector<16xi32>
    %swap3A_356 = arith.constant 0 : index
    %swap3A_357 = tpu.vector_load %arg10[%swap3A_356] {strides = array<i32>} : memref<256xi32, #tpu.memory_space<vmem>>, vector<16xi32>,
    tpu.vector_store %arg10[%swap3A_356], %shift_right_logical3A_355 {strides = array<i32>} : memref<256xi32, #tpu.memory_space<vmem>>, vector<16xi32>,
    %get3A_358 = arith.constant 256 : index
    %get3A_359 = tpu.vector_load %arg9[%get3A_358] {strides = array<i32>} : memref<512xi32, #tpu.memory_space<vmem>>, vector<16xi32>,
    %shift_right_logical3A_360 = arith.constant 3 : i32
    %shift_right_logical3A_361 = vector.broadcast %shift_right_logical3A_360 : i32 to vector<16xi32>
    %shift_right_logical3A_362 = arith.shrui %get3A_359, %shift_right_logical3A_361 : vector<16xi32>
    %add3A_363 = arith.constant 62500 : i32
    %add3A_364 = vector.broadcast %add3A_363 : i32 to vector<16xi32>
    %add3A_365 = arith.addi %shift_right_logical3A_362, %add3A_364 : vector<16xi32>
    %swap3A_366 = arith.constant 0 : index
    %swap3A_367 = tpu.vector_load %arg11[%swap3A_366] {strides = array<i32>} : memref<256xi32, #tpu.memory_space<vmem>>, vector<16xi32>,
    tpu.vector_store %arg11[%swap3A_366], %add3A_365 {strides = array<i32>} : memref<256xi32, #tpu.memory_space<vmem>>, vector<16xi32>,
    %get3A_368 = arith.constant 272 : index
    %get3A_369 = tpu.vector_load %arg8[%get3A_368] {strides = array<i32>} : memref<512xi32, #tpu.memory_space<vmem>>, vector<16xi32>,
    %shift_right_logical3A_370 = arith.constant 3 : i32
    %shift_right_logical3A_371 = vector.broadcast %shift_right_logical3A_370 : i32 to vector<16xi32>
    %shift_right_logical3A_372 = arith.shrui %get3A_369, %shift_right_logical3A_371 : vector<16xi32>
    %swap3A_373 = arith.constant 16 : index
    %swap3A_374 = tpu.vector_load %arg10[%swap3A_373] {strides = array<i32>} : memref<256xi32, #tpu.memory_space<vmem>>, vector<16xi32>,
    tpu.vector_store %arg10[%swap3A_373], %shift_right_logical3A_372 {strides = array<i32>} : memref<256xi32, #tpu.memory_space<vmem>>, vector<16xi32>,
    %get3A_375 = arith.constant 272 : index
    %get3A_376 = tpu.vector_load %arg9[%get3A_375] {strides = array<i32>} : memref<512xi32, #tpu.memory_space<vmem>>, vector<16xi32>,
    %shift_right_logical3A_377 = arith.constant 3 : i32
    %shift_right_logical3A_378 = vector.broadcast %shift_right_logical3A_377 : i32 to vector<16xi32>
    %shift_right_logical3A_379 = arith.shrui %get3A_376, %shift_right_logical3A_378 : vector<16xi32>
    %add3A_380 = arith.constant 62500 : i32
    %add3A_381 = vector.broadcast %add3A_380 : i32 to vector<16xi32>
    %add3A_382 = arith.addi %shift_right_logical3A_379, %add3A_381 : vector<16xi32>
    %swap3A_383 = arith.constant 16 : index
    %swap3A_384 = tpu.vector_load %arg11[%swap3A_383] {strides = array<i32>} : memref<256xi32, #tpu.memory_space<vmem>>, vector<16xi32>,
    tpu.vector_store %arg11[%swap3A_383], %add3A_382 {strides = array<i32>} : memref<256xi32, #tpu.memory_space<vmem>>, vector<16xi32>,
    %get3A_385 = arith.constant 288 : index
    %get3A_386 = tpu.vector_load %arg8[%get3A_385] {strides = array<i32>} : memref<512xi32, #tpu.memory_space<vmem>>, vector<16xi32>,
    %shift_right_logical3A_387 = arith.constant 3 : i32
    %shift_right_logical3A_388 = vector.broadcast %shift_right_logical3A_387 : i32 to vector<16xi32>
    %shift_right_logical3A_389 = arith.shrui %get3A_386, %shift_right_logical3A_388 : vector<16xi32>
    %swap3A_390 = arith.constant 32 : index
    %swap3A_391 = tpu.vector_load %arg10[%swap3A_390] {strides = array<i32>} : memref<256xi32, #tpu.memory_space<vmem>>, vector<16xi32>,
    tpu.vector_store %arg10[%swap3A_390], %shift_right_logical3A_389 {strides = array<i32>} : memref<256xi32, #tpu.memory_space<vmem>>, vector<16xi32>,
    %get3A_392 = arith.constant 288 : index
    %get3A_393 = tpu.vector_load %arg9[%get3A_392] {strides = array<i32>} : memref<512xi32, #tpu.memory_space<vmem>>, vector<16xi32>,
    %shift_right_logical3A_394 = arith.constant 3 : i32
    %shift_right_logical3A_395 = vector.broadcast %shift_right_logical3A_394 : i32 to vector<16xi32>
    %shift_right_logical3A_396 = arith.shrui %get3A_393, %shift_right_logical3A_395 : vector<16xi32>
    %add3A_397 = arith.constant 62500 : i32
    %add3A_398 = vector.broadcast %add3A_397 : i32 to vector<16xi32>
    %add3A_399 = arith.addi %shift_right_logical3A_396, %add3A_398 : vector<16xi32>
    %swap3A_400 = arith.constant 32 : index
    %swap3A_401 = tpu.vector_load %arg11[%swap3A_400] {strides = array<i32>} : memref<256xi32, #tpu.memory_space<vmem>>, vector<16xi32>,
    tpu.vector_store %arg11[%swap3A_400], %add3A_399 {strides = array<i32>} : memref<256xi32, #tpu.memory_space<vmem>>, vector<16xi32>,
    %get3A_402 = arith.constant 304 : index
    %get3A_403 = tpu.vector_load %arg8[%get3A_402] {strides = array<i32>} : memref<512xi32, #tpu.memory_space<vmem>>, vector<16xi32>,
    %shift_right_logical3A_404 = arith.constant 3 : i32
    %shift_right_logical3A_405 = vector.broadcast %shift_right_logical3A_404 : i32 to vector<16xi32>
    %shift_right_logical3A_406 = arith.shrui %get3A_403, %shift_right_logical3A_405 : vector<16xi32>
    %swap3A_407 = arith.constant 48 : index
    %swap3A_408 = tpu.vector_load %arg10[%swap3A_407] {strides = array<i32>} : memref<256xi32, #tpu.memory_space<vmem>>, vector<16xi32>,
    tpu.vector_store %arg10[%swap3A_407], %shift_right_logical3A_406 {strides = array<i32>} : memref<256xi32, #tpu.memory_space<vmem>>, vector<16xi32>,
    %get3A_409 = arith.constant 304 : index
    %get3A_410 = tpu.vector_load %arg9[%get3A_409] {strides = array<i32>} : memref<512xi32, #tpu.memory_space<vmem>>, vector<16xi32>,
    %shift_right_logical3A_411 = arith.constant 3 : i32
    %shift_right_logical3A_412 = vector.broadcast %shift_right_logical3A_411 : i32 to vector<16xi32>
    %shift_right_logical3A_413 = arith.shrui %get3A_410, %shift_right_logical3A_412 : vector<16xi32>
    %add3A_414 = arith.constant 62500 : i32
    %add3A_415 = vector.broadcast %add3A_414 : i32 to vector<16xi32>
    %add3A_416 = arith.addi %shift_right_logical3A_413, %add3A_415 : vector<16xi32>
    %swap3A_417 = arith.constant 48 : index
    %swap3A_418 = tpu.vector_load %arg11[%swap3A_417] {strides = array<i32>} : memref<256xi32, #tpu.memory_space<vmem>>, vector<16xi32>,
    tpu.vector_store %arg11[%swap3A_417], %add3A_416 {strides = array<i32>} : memref<256xi32, #tpu.memory_space<vmem>>, vector<16xi32>,
    %get3A_419 = arith.constant 320 : index
    %get3A_420 = tpu.vector_load %arg8[%get3A_419] {strides = array<i32>} : memref<512xi32, #tpu.memory_space<vmem>>, vector<16xi32>,
    %shift_right_logical3A_421 = arith.constant 3 : i32
    %shift_right_logical3A_422 = vector.broadcast %shift_right_logical3A_421 : i32 to vector<16xi32>
    %shift_right_logical3A_423 = arith.shrui %get3A_420, %shift_right_logical3A_422 : vector<16xi32>
    %swap3A_424 = arith.constant 64 : index
    %swap3A_425 = tpu.vector_load %arg10[%swap3A_424] {strides = array<i32>} : memref<256xi32, #tpu.memory_space<vmem>>, vector<16xi32>,
    tpu.vector_store %arg10[%swap3A_424], %shift_right_logical3A_423 {strides = array<i32>} : memref<256xi32, #tpu.memory_space<vmem>>, vector<16xi32>,
    %get3A_426 = arith.constant 320 : index
    %get3A_427 = tpu.vector_load %arg9[%get3A_426] {strides = array<i32>} : memref<512xi32, #tpu.memory_space<vmem>>, vector<16xi32>,
    %shift_right_logical3A_428 = arith.constant 3 : i32
    %shift_right_logical3A_429 = vector.broadcast %shift_right_logical3A_428 : i32 to vector<16xi32>
    %shift_right_logical3A_430 = arith.shrui %get3A_427, %shift_right_logical3A_429 : vector<16xi32>
    %add3A_431 = arith.constant 62500 : i32
    %add3A_432 = vector.broadcast %add3A_431 : i32 to vector<16xi32>
    %add3A_433 = arith.addi %shift_right_logical3A_430, %add3A_432 : vector<16xi32>
    %swap3A_434 = arith.constant 64 : index
    %swap3A_435 = tpu.vector_load %arg11[%swap3A_434] {strides = array<i32>} : memref<256xi32, #tpu.memory_space<vmem>>, vector<16xi32>,
    tpu.vector_store %arg11[%swap3A_434], %add3A_433 {strides = array<i32>} : memref<256xi32, #tpu.memory_space<vmem>>, vector<16xi32>,
    %get3A_436 = arith.constant 336 : index
    %get3A_437 = tpu.vector_load %arg8[%get3A_436] {strides = array<i32>} : memref<512xi32, #tpu.memory_space<vmem>>, vector<16xi32>,
    %shift_right_logical3A_438 = arith.constant 3 : i32
    %shift_right_logical3A_439 = vector.broadcast %shift_right_logical3A_438 : i32 to vector<16xi32>
    %shift_right_logical3A_440 = arith.shrui %get3A_437, %shift_right_logical3A_439 : vector<16xi32>
    %swap3A_441 = arith.constant 80 : index
    %swap3A_442 = tpu.vector_load %arg10[%swap3A_441] {strides = array<i32>} : memref<256xi32, #tpu.memory_space<vmem>>, vector<16xi32>,
    tpu.vector_store %arg10[%swap3A_441], %shift_right_logical3A_440 {strides = array<i32>} : memref<256xi32, #tpu.memory_space<vmem>>, vector<16xi32>,
    %get3A_443 = arith.constant 336 : index
    %get3A_444 = tpu.vector_load %arg9[%get3A_443] {strides = array<i32>} : memref<512xi32, #tpu.memory_space<vmem>>, vector<16xi32>,
    %shift_right_logical3A_445 = arith.constant 3 : i32
    %shift_right_logical3A_446 = vector.broadcast %shift_right_logical3A_445 : i32 to vector<16xi32>
    %shift_right_logical3A_447 = arith.shrui %get3A_444, %shift_right_logical3A_446 : vector<16xi32>
    %add3A_448 = arith.constant 62500 : i32
    %add3A_449 = vector.broadcast %add3A_448 : i32 to vector<16xi32>
    %add3A_450 = arith.addi %shift_right_logical3A_447, %add3A_449 : vector<16xi32>
    %swap3A_451 = arith.constant 80 : index
    %swap3A_452 = tpu.vector_load %arg11[%swap3A_451] {strides = array<i32>} : memref<256xi32, #tpu.memory_space<vmem>>, vector<16xi32>,
    tpu.vector_store %arg11[%swap3A_451], %add3A_450 {strides = array<i32>} : memref<256xi32, #tpu.memory_space<vmem>>, vector<16xi32>,
    %get3A_453 = arith.constant 352 : index
    %get3A_454 = tpu.vector_load %arg8[%get3A_453] {strides = array<i32>} : memref<512xi32, #tpu.memory_space<vmem>>, vector<16xi32>,
    %shift_right_logical3A_455 = arith.constant 3 : i32
    %shift_right_logical3A_456 = vector.broadcast %shift_right_logical3A_455 : i32 to vector<16xi32>
    %shift_right_logical3A_457 = arith.shrui %get3A_454, %shift_right_logical3A_456 : vector<16xi32>
    %swap3A_458 = arith.constant 96 : index
    %swap3A_459 = tpu.vector_load %arg10[%swap3A_458] {strides = array<i32>} : memref<256xi32, #tpu.memory_space<vmem>>, vector<16xi32>,
    tpu.vector_store %arg10[%swap3A_458], %shift_right_logical3A_457 {strides = array<i32>} : memref<256xi32, #tpu.memory_space<vmem>>, vector<16xi32>,
    %get3A_460 = arith.constant 352 : index
    %get3A_461 = tpu.vector_load %arg9[%get3A_460] {strides = array<i32>} : memref<512xi32, #tpu.memory_space<vmem>>, vector<16xi32>,
    %shift_right_logical3A_462 = arith.constant 3 : i32
    %shift_right_logical3A_463 = vector.broadcast %shift_right_logical3A_462 : i32 to vector<16xi32>
    %shift_right_logical3A_464 = arith.shrui %get3A_461, %shift_right_logical3A_463 : vector<16xi32>
    %add3A_465 = arith.constant 62500 : i32
    %add3A_466 = vector.broadcast %add3A_465 : i32 to vector<16xi32>
    %add3A_467 = arith.addi %shift_right_logical3A_464, %add3A_466 : vector<16xi32>
    %swap3A_468 = arith.constant 96 : index
    %swap3A_469 = tpu.vector_load %arg11[%swap3A_468] {strides = array<i32>} : memref<256xi32, #tpu.memory_space<vmem>>, vector<16xi32>,
    tpu.vector_store %arg11[%swap3A_468], %add3A_467 {strides = array<i32>} : memref<256xi32, #tpu.memory_space<vmem>>, vector<16xi32>,
    %get3A_470 = arith.constant 368 : index
    %get3A_471 = tpu.vector_load %arg8[%get3A_470] {strides = array<i32>} : memref<512xi32, #tpu.memory_space<vmem>>, vector<16xi32>,
    %shift_right_logical3A_472 = arith.constant 3 : i32
    %shift_right_logical3A_473 = vector.broadcast %shift_right_logical3A_472 : i32 to vector<16xi32>
    %shift_right_logical3A_474 = arith.shrui %get3A_471, %shift_right_logical3A_473 : vector<16xi32>
    %swap3A_475 = arith.constant 112 : index
    %swap3A_476 = tpu.vector_load %arg10[%swap3A_475] {strides = array<i32>} : memref<256xi32, #tpu.memory_space<vmem>>, vector<16xi32>,
    tpu.vector_store %arg10[%swap3A_475], %shift_right_logical3A_474 {strides = array<i32>} : memref<256xi32, #tpu.memory_space<vmem>>, vector<16xi32>,
    %get3A_477 = arith.constant 368 : index
    %get3A_478 = tpu.vector_load %arg9[%get3A_477] {strides = array<i32>} : memref<512xi32, #tpu.memory_space<vmem>>, vector<16xi32>,
    %shift_right_logical3A_479 = arith.constant 3 : i32
    %shift_right_logical3A_480 = vector.broadcast %shift_right_logical3A_479 : i32 to vector<16xi32>
    %shift_right_logical3A_481 = arith.shrui %get3A_478, %shift_right_logical3A_480 : vector<16xi32>
    %add3A_482 = arith.constant 62500 : i32
    %add3A_483 = vector.broadcast %add3A_482 : i32 to vector<16xi32>
    %add3A_484 = arith.addi %shift_right_logical3A_481, %add3A_483 : vector<16xi32>
    %swap3A_485 = arith.constant 112 : index
    %swap3A_486 = tpu.vector_load %arg11[%swap3A_485] {strides = array<i32>} : memref<256xi32, #tpu.memory_space<vmem>>, vector<16xi32>,
    tpu.vector_store %arg11[%swap3A_485], %add3A_484 {strides = array<i32>} : memref<256xi32, #tpu.memory_space<vmem>>, vector<16xi32>,
    %get3A_487 = arith.constant 384 : index
    %get3A_488 = tpu.vector_load %arg8[%get3A_487] {strides = array<i32>} : memref<512xi32, #tpu.memory_space<vmem>>, vector<16xi32>,
    %shift_right_logical3A_489 = arith.constant 3 : i32
    %shift_right_logical3A_490 = vector.broadcast %shift_right_logical3A_489 : i32 to vector<16xi32>
    %shift_right_logical3A_491 = arith.shrui %get3A_488, %shift_right_logical3A_490 : vector<16xi32>
    %swap3A_492 = arith.constant 128 : index
    %swap3A_493 = tpu.vector_load %arg10[%swap3A_492] {strides = array<i32>} : memref<256xi32, #tpu.memory_space<vmem>>, vector<16xi32>,
    tpu.vector_store %arg10[%swap3A_492], %shift_right_logical3A_491 {strides = array<i32>} : memref<256xi32, #tpu.memory_space<vmem>>, vector<16xi32>,
    %get3A_494 = arith.constant 384 : index
    %get3A_495 = tpu.vector_load %arg9[%get3A_494] {strides = array<i32>} : memref<512xi32, #tpu.memory_space<vmem>>, vector<16xi32>,
    %shift_right_logical3A_496 = arith.constant 3 : i32
    %shift_right_logical3A_497 = vector.broadcast %shift_right_logical3A_496 : i32 to vector<16xi32>
    %shift_right_logical3A_498 = arith.shrui %get3A_495, %shift_right_logical3A_497 : vector<16xi32>
    %add3A_499 = arith.constant 62500 : i32
    %add3A_500 = vector.broadcast %add3A_499 : i32 to vector<16xi32>
    %add3A_501 = arith.addi %shift_right_logical3A_498, %add3A_500 : vector<16xi32>
    %swap3A_502 = arith.constant 128 : index
    %swap3A_503 = tpu.vector_load %arg11[%swap3A_502] {strides = array<i32>} : memref<256xi32, #tpu.memory_space<vmem>>, vector<16xi32>,
    tpu.vector_store %arg11[%swap3A_502], %add3A_501 {strides = array<i32>} : memref<256xi32, #tpu.memory_space<vmem>>, vector<16xi32>,
    %get3A_504 = arith.constant 400 : index
    %get3A_505 = tpu.vector_load %arg8[%get3A_504] {strides = array<i32>} : memref<512xi32, #tpu.memory_space<vmem>>, vector<16xi32>,
    %shift_right_logical3A_506 = arith.constant 3 : i32
    %shift_right_logical3A_507 = vector.broadcast %shift_right_logical3A_506 : i32 to vector<16xi32>
    %shift_right_logical3A_508 = arith.shrui %get3A_505, %shift_right_logical3A_507 : vector<16xi32>
    %swap3A_509 = arith.constant 144 : index
    %swap3A_510 = tpu.vector_load %arg10[%swap3A_509] {strides = array<i32>} : memref<256xi32, #tpu.memory_space<vmem>>, vector<16xi32>,
    tpu.vector_store %arg10[%swap3A_509], %shift_right_logical3A_508 {strides = array<i32>} : memref<256xi32, #tpu.memory_space<vmem>>, vector<16xi32>,
    %get3A_511 = arith.constant 400 : index
    %get3A_512 = tpu.vector_load %arg9[%get3A_511] {strides = array<i32>} : memref<512xi32, #tpu.memory_space<vmem>>, vector<16xi32>,
    %shift_right_logical3A_513 = arith.constant 3 : i32
    %shift_right_logical3A_514 = vector.broadcast %shift_right_logical3A_513 : i32 to vector<16xi32>
    %shift_right_logical3A_515 = arith.shrui %get3A_512, %shift_right_logical3A_514 : vector<16xi32>
    %add3A_516 = arith.constant 62500 : i32
    %add3A_517 = vector.broadcast %add3A_516 : i32 to vector<16xi32>
    %add3A_518 = arith.addi %shift_right_logical3A_515, %add3A_517 : vector<16xi32>
    %swap3A_519 = arith.constant 144 : index
    %swap3A_520 = tpu.vector_load %arg11[%swap3A_519] {strides = array<i32>} : memref<256xi32, #tpu.memory_space<vmem>>, vector<16xi32>,
    tpu.vector_store %arg11[%swap3A_519], %add3A_518 {strides = array<i32>} : memref<256xi32, #tpu.memory_space<vmem>>, vector<16xi32>,
    %get3A_521 = arith.constant 416 : index
    %get3A_522 = tpu.vector_load %arg8[%get3A_521] {strides = array<i32>} : memref<512xi32, #tpu.memory_space<vmem>>, vector<16xi32>,
    %shift_right_logical3A_523 = arith.constant 3 : i32
    %shift_right_logical3A_524 = vector.broadcast %shift_right_logical3A_523 : i32 to vector<16xi32>
    %shift_right_logical3A_525 = arith.shrui %get3A_522, %shift_right_logical3A_524 : vector<16xi32>
    %swap3A_526 = arith.constant 160 : index
    %swap3A_527 = tpu.vector_load %arg10[%swap3A_526] {strides = array<i32>} : memref<256xi32, #tpu.memory_space<vmem>>, vector<16xi32>,
    tpu.vector_store %arg10[%swap3A_526], %shift_right_logical3A_525 {strides = array<i32>} : memref<256xi32, #tpu.memory_space<vmem>>, vector<16xi32>,
    %get3A_528 = arith.constant 416 : index
    %get3A_529 = tpu.vector_load %arg9[%get3A_528] {strides = array<i32>} : memref<512xi32, #tpu.memory_space<vmem>>, vector<16xi32>,
    %shift_right_logical3A_530 = arith.constant 3 : i32
    %shift_right_logical3A_531 = vector.broadcast %shift_right_logical3A_530 : i32 to vector<16xi32>
    %shift_right_logical3A_532 = arith.shrui %get3A_529, %shift_right_logical3A_531 : vector<16xi32>
    %add3A_533 = arith.constant 62500 : i32
    %add3A_534 = vector.broadcast %add3A_533 : i32 to vector<16xi32>
    %add3A_535 = arith.addi %shift_right_logical3A_532, %add3A_534 : vector<16xi32>
    %swap3A_536 = arith.constant 160 : index
    %swap3A_537 = tpu.vector_load %arg11[%swap3A_536] {strides = array<i32>} : memref<256xi32, #tpu.memory_space<vmem>>, vector<16xi32>,
    tpu.vector_store %arg11[%swap3A_536], %add3A_535 {strides = array<i32>} : memref<256xi32, #tpu.memory_space<vmem>>, vector<16xi32>,
    %get3A_538 = arith.constant 432 : index
    %get3A_539 = tpu.vector_load %arg8[%get3A_538] {strides = array<i32>} : memref<512xi32, #tpu.memory_space<vmem>>, vector<16xi32>,
    %shift_right_logical3A_540 = arith.constant 3 : i32
    %shift_right_logical3A_541 = vector.broadcast %shift_right_logical3A_540 : i32 to vector<16xi32>
    %shift_right_logical3A_542 = arith.shrui %get3A_539, %shift_right_logical3A_541 : vector<16xi32>
    %swap3A_543 = arith.constant 176 : index
    %swap3A_544 = tpu.vector_load %arg10[%swap3A_543] {strides = array<i32>} : memref<256xi32, #tpu.memory_space<vmem>>, vector<16xi32>,
    tpu.vector_store %arg10[%swap3A_543], %shift_right_logical3A_542 {strides = array<i32>} : memref<256xi32, #tpu.memory_space<vmem>>, vector<16xi32>,
    %get3A_545 = arith.constant 432 : index
    %get3A_546 = tpu.vector_load %arg9[%get3A_545] {strides = array<i32>} : memref<512xi32, #tpu.memory_space<vmem>>, vector<16xi32>,
    %shift_right_logical3A_547 = arith.constant 3 : i32
    %shift_right_logical3A_548 = vector.broadcast %shift_right_logical3A_547 : i32 to vector<16xi32>
    %shift_right_logical3A_549 = arith.shrui %get3A_546, %shift_right_logical3A_548 : vector<16xi32>
    %add3A_550 = arith.constant 62500 : i32
    %add3A_551 = vector.broadcast %add3A_550 : i32 to vector<16xi32>
    %add3A_552 = arith.addi %shift_right_logical3A_549, %add3A_551 : vector<16xi32>
    %swap3A_553 = arith.constant 176 : index
    %swap3A_554 = tpu.vector_load %arg11[%swap3A_553] {strides = array<i32>} : memref<256xi32, #tpu.memory_space<vmem>>, vector<16xi32>,
    tpu.vector_store %arg11[%swap3A_553], %add3A_552 {strides = array<i32>} : memref<256xi32, #tpu.memory_space<vmem>>, vector<16xi32>,
    %get3A_555 = arith.constant 448 : index
    %get3A_556 = tpu.vector_load %arg8[%get3A_555] {strides = array<i32>} : memref<512xi32, #tpu.memory_space<vmem>>, vector<16xi32>,
    %shift_right_logical3A_557 = arith.constant 3 : i32
    %shift_right_logical3A_558 = vector.broadcast %shift_right_logical3A_557 : i32 to vector<16xi32>
    %shift_right_logical3A_559 = arith.shrui %get3A_556, %shift_right_logical3A_558 : vector<16xi32>
    %swap3A_560 = arith.constant 192 : index
    %swap3A_561 = tpu.vector_load %arg10[%swap3A_560] {strides = array<i32>} : memref<256xi32, #tpu.memory_space<vmem>>, vector<16xi32>,
    tpu.vector_store %arg10[%swap3A_560], %shift_right_logical3A_559 {strides = array<i32>} : memref<256xi32, #tpu.memory_space<vmem>>, vector<16xi32>,
    %get3A_562 = arith.constant 448 : index
    %get3A_563 = tpu.vector_load %arg9[%get3A_562] {strides = array<i32>} : memref<512xi32, #tpu.memory_space<vmem>>, vector<16xi32>,
    %shift_right_logical3A_564 = arith.constant 3 : i32
    %shift_right_logical3A_565 = vector.broadcast %shift_right_logical3A_564 : i32 to vector<16xi32>
    %shift_right_logical3A_566 = arith.shrui %get3A_563, %shift_right_logical3A_565 : vector<16xi32>
    %add3A_567 = arith.constant 62500 : i32
    %add3A_568 = vector.broadcast %add3A_567 : i32 to vector<16xi32>
    %add3A_569 = arith.addi %shift_right_logical3A_566, %add3A_568 : vector<16xi32>
    %swap3A_570 = arith.constant 192 : index
    %swap3A_571 = tpu.vector_load %arg11[%swap3A_570] {strides = array<i32>} : memref<256xi32, #tpu.memory_space<vmem>>, vector<16xi32>,
    tpu.vector_store %arg11[%swap3A_570], %add3A_569 {strides = array<i32>} : memref<256xi32, #tpu.memory_space<vmem>>, vector<16xi32>,
    %get3A_572 = arith.constant 464 : index
    %get3A_573 = tpu.vector_load %arg8[%get3A_572] {strides = array<i32>} : memref<512xi32, #tpu.memory_space<vmem>>, vector<16xi32>,
    %shift_right_logical3A_574 = arith.constant 3 : i32
    %shift_right_logical3A_575 = vector.broadcast %shift_right_logical3A_574 : i32 to vector<16xi32>
    %shift_right_logical3A_576 = arith.shrui %get3A_573, %shift_right_logical3A_575 : vector<16xi32>
    %swap3A_577 = arith.constant 208 : index
    %swap3A_578 = tpu.vector_load %arg10[%swap3A_577] {strides = array<i32>} : memref<256xi32, #tpu.memory_space<vmem>>, vector<16xi32>,
    tpu.vector_store %arg10[%swap3A_577], %shift_right_logical3A_576 {strides = array<i32>} : memref<256xi32, #tpu.memory_space<vmem>>, vector<16xi32>,
    %get3A_579 = arith.constant 464 : index
    %get3A_580 = tpu.vector_load %arg9[%get3A_579] {strides = array<i32>} : memref<512xi32, #tpu.memory_space<vmem>>, vector<16xi32>,
    %shift_right_logical3A_581 = arith.constant 3 : i32
    %shift_right_logical3A_582 = vector.broadcast %shift_right_logical3A_581 : i32 to vector<16xi32>
    %shift_right_logical3A_583 = arith.shrui %get3A_580, %shift_right_logical3A_582 : vector<16xi32>
    %add3A_584 = arith.constant 62500 : i32
    %add3A_585 = vector.broadcast %add3A_584 : i32 to vector<16xi32>
    %add3A_586 = arith.addi %shift_right_logical3A_583, %add3A_585 : vector<16xi32>
    %swap3A_587 = arith.constant 208 : index
    %swap3A_588 = tpu.vector_load %arg11[%swap3A_587] {strides = array<i32>} : memref<256xi32, #tpu.memory_space<vmem>>, vector<16xi32>,
    tpu.vector_store %arg11[%swap3A_587], %add3A_586 {strides = array<i32>} : memref<256xi32, #tpu.memory_space<vmem>>, vector<16xi32>,
    %get3A_589 = arith.constant 480 : index
    %get3A_590 = tpu.vector_load %arg8[%get3A_589] {strides = array<i32>} : memref<512xi32, #tpu.memory_space<vmem>>, vector<16xi32>,
    %shift_right_logical3A_591 = arith.constant 3 : i32
    %shift_right_logical3A_592 = vector.broadcast %shift_right_logical3A_591 : i32 to vector<16xi32>
    %shift_right_logical3A_593 = arith.shrui %get3A_590, %shift_right_logical3A_592 : vector<16xi32>
    %swap3A_594 = arith.constant 224 : index
    %swap3A_595 = tpu.vector_load %arg10[%swap3A_594] {strides = array<i32>} : memref<256xi32, #tpu.memory_space<vmem>>, vector<16xi32>,
    tpu.vector_store %arg10[%swap3A_594], %shift_right_logical3A_593 {strides = array<i32>} : memref<256xi32, #tpu.memory_space<vmem>>, vector<16xi32>,
    %get3A_596 = arith.constant 480 : index
    %get3A_597 = tpu.vector_load %arg9[%get3A_596] {strides = array<i32>} : memref<512xi32, #tpu.memory_space<vmem>>, vector<16xi32>,
    %shift_right_logical3A_598 = arith.constant 3 : i32
    %shift_right_logical3A_599 = vector.broadcast %shift_right_logical3A_598 : i32 to vector<16xi32>
    %shift_right_logical3A_600 = arith.shrui %get3A_597, %shift_right_logical3A_599 : vector<16xi32>
    %add3A_601 = arith.constant 62500 : i32
    %add3A_602 = vector.broadcast %add3A_601 : i32 to vector<16xi32>
    %add3A_603 = arith.addi %shift_right_logical3A_600, %add3A_602 : vector<16xi32>
    %swap3A_604 = arith.constant 224 : index
    %swap3A_605 = tpu.vector_load %arg11[%swap3A_604] {strides = array<i32>} : memref<256xi32, #tpu.memory_space<vmem>>, vector<16xi32>,
    tpu.vector_store %arg11[%swap3A_604], %add3A_603 {strides = array<i32>} : memref<256xi32, #tpu.memory_space<vmem>>, vector<16xi32>,
    %get3A_606 = arith.constant 496 : index
    %get3A_607 = tpu.vector_load %arg8[%get3A_606] {strides = array<i32>} : memref<512xi32, #tpu.memory_space<vmem>>, vector<16xi32>,
    %shift_right_logical3A_608 = arith.constant 3 : i32
    %shift_right_logical3A_609 = vector.broadcast %shift_right_logical3A_608 : i32 to vector<16xi32>
    %shift_right_logical3A_610 = arith.shrui %get3A_607, %shift_right_logical3A_609 : vector<16xi32>
    %swap3A_611 = arith.constant 240 : index
    %swap3A_612 = tpu.vector_load %arg10[%swap3A_611] {strides = array<i32>} : memref<256xi32, #tpu.memory_space<vmem>>, vector<16xi32>,
    tpu.vector_store %arg10[%swap3A_611], %shift_right_logical3A_610 {strides = array<i32>} : memref<256xi32, #tpu.memory_space<vmem>>, vector<16xi32>,
    %get3A_613 = arith.constant 496 : index
    %get3A_614 = tpu.vector_load %arg9[%get3A_613] {strides = array<i32>} : memref<512xi32, #tpu.memory_space<vmem>>, vector<16xi32>,
    %shift_right_logical3A_615 = arith.constant 3 : i32
    %shift_right_logical3A_616 = vector.broadcast %shift_right_logical3A_615 : i32 to vector<16xi32>
    %shift_right_logical3A_617 = arith.shrui %get3A_614, %shift_right_logical3A_616 : vector<16xi32>
    %add3A_618 = arith.constant 62500 : i32
    %add3A_619 = vector.broadcast %add3A_618 : i32 to vector<16xi32>
    %add3A_620 = arith.addi %shift_right_logical3A_617, %add3A_619 : vector<16xi32>
    %swap3A_621 = arith.constant 240 : index
    %swap3A_622 = tpu.vector_load %arg11[%swap3A_621] {strides = array<i32>} : memref<256xi32, #tpu.memory_space<vmem>>, vector<16xi32>,
    tpu.vector_store %arg11[%swap3A_621], %add3A_620 {strides = array<i32>} : memref<256xi32, #tpu.memory_space<vmem>>, vector<16xi32>,
    %dma_start3A_623 = arith.constant 0 : i32
    %dma_start3A_624 = arith.constant 0 : i32
    %dma_start3A_625 = tpu.memref_slice %arg2[%dma_start3A_623, %dma_start3A_624] : memref<125000x128xf32, #tpu.memory_space<hbm>> -> memref<125000x128xf32, #tpu.memory_space<hbm>>
    tpu.enqueue_indirect_dma source(%dma_start3A_625 : memref<125000x128xf32, #tpu.memory_space<hbm>>) target(%arg12 : memref<256x128xf32, #tpu.memory_space<vmem>>) offsets(%arg10 : memref<256xi32, #tpu.memory_space<vmem>>) semaphore(%arg17 : memref<!tpu.dma_semaphore, #tpu.memory_space<semaphore_mem>>)
    %dma_start3A_626 = arith.constant 0 : i32
    %dma_start3A_627 = arith.constant 0 : i32
    %dma_start3A_628 = tpu.memref_slice %arg2[%dma_start3A_626, %dma_start3A_627] : memref<125000x128xf32, #tpu.memory_space<hbm>> -> memref<125000x128xf32, #tpu.memory_space<hbm>>
    tpu.enqueue_indirect_dma source(%dma_start3A_628 : memref<125000x128xf32, #tpu.memory_space<hbm>>) target(%arg13 : memref<256x128xf32, #tpu.memory_space<vmem>>) offsets(%arg11 : memref<256xi32, #tpu.memory_space<vmem>>) semaphore(%arg17 : memref<!tpu.dma_semaphore, #tpu.memory_space<semaphore_mem>>)
    %dma_wait3A_629 = arith.constant 0 : i32
    %dma_wait3A_630 = arith.constant 0 : i32
    %dma_wait3A_631 = tpu.memref_slice %arg2[%dma_wait3A_629, %dma_wait3A_630] : memref<125000x128xf32, #tpu.memory_space<hbm>> -> memref<125000x128xf32, #tpu.memory_space<hbm>>
    tpu.wait_indirect_dma semaphore(%arg17 : memref<!tpu.dma_semaphore, #tpu.memory_space<semaphore_mem>>) src(%dma_wait3A_631 : memref<125000x128xf32, #tpu.memory_space<hbm>>) dst(%arg12 : memref<256x128xf32, #tpu.memory_space<vmem>>)
    %dma_wait3A_632 = arith.constant 0 : i32
    %dma_wait3A_633 = arith.constant 0 : i32
    %dma_wait3A_634 = tpu.memref_slice %arg2[%dma_wait3A_632, %dma_wait3A_633] : memref<125000x128xf32, #tpu.memory_space<hbm>> -> memref<125000x128xf32, #tpu.memory_space<hbm>>
    tpu.wait_indirect_dma semaphore(%arg17 : memref<!tpu.dma_semaphore, #tpu.memory_space<semaphore_mem>>) src(%dma_wait3A_634 : memref<125000x128xf32, #tpu.memory_space<hbm>>) dst(%arg13 : memref<256x128xf32, #tpu.memory_space<vmem>>)
    %scan3A_635 = arith.constant 0 : i32
    %scan3A_636 = arith.constant 0 : i32
    %scan3A_637 = arith.constant 16 : i32
    %scan3A_638 = arith.addi %scan3A_636, %scan3A_637 : i32
    %scan3A_639 = arith.constant 1 : i32
    scf.for %scan3A_641 = %scan3A_636 to %scan3A_638 step %scan3A_639  : i32 {
      %mul3A_642 = arith.constant 16 : i32
      %mul3A_643 = arith.muli %scan3A_641, %mul3A_642 : i32
      %add3A_644 = vector.broadcast %mul3A_643 : i32 to vector<16xi32>
      %add3A_645 = arith.addi %add3A_644, %iota3A : vector<16xi32>
      %mul3A_646 = arith.constant 16 : i32
      %mul3A_647 = arith.muli %scan3A_641, %mul3A_646 : i32
      %add3A_648 = arith.constant 256 : i32
      %add3A_649 = arith.addi %add3A_648, %mul3A_647 : i32
      %get3A_650 = arith.index_cast %add3A_649 : i32 to index
      %get3A_651 = tpu.vector_load %arg8[%get3A_650] {strides = array<i32>} : memref<512xi32, #tpu.memory_space<vmem>>, vector<16xi32>,
      %mul3A_652 = arith.constant 16 : i32
      %mul3A_653 = arith.muli %scan3A_641, %mul3A_652 : i32
      %add3A_654 = arith.constant 256 : i32
      %add3A_655 = arith.addi %add3A_654, %mul3A_653 : i32
      %get3A_656 = arith.index_cast %add3A_655 : i32 to index
      %get3A_657 = tpu.vector_load %arg9[%get3A_656] {strides = array<i32>} : memref<512xi32, #tpu.memory_space<vmem>>, vector<16xi32>,
      %and3A = arith.constant 7 : i32
      %and3A_658 = vector.broadcast %and3A : i32 to vector<16xi32>
      %and3A_659 = arith.andi %get3A_651, %and3A_658 : vector<16xi32>
      %shift_left3A = arith.constant 4 : i32
      %shift_left3A_660 = vector.broadcast %shift_left3A : i32 to vector<16xi32>
      %shift_left3A_661 = arith.shli %and3A_659, %shift_left3A_660 : vector<16xi32>
      %and3A_662 = arith.constant 7 : i32
      %and3A_663 = vector.broadcast %and3A_662 : i32 to vector<16xi32>
      %and3A_664 = arith.andi %get3A_657, %and3A_663 : vector<16xi32>
      %shift_left3A_665 = arith.constant 4 : i32
      %shift_left3A_666 = vector.broadcast %shift_left3A_665 : i32 to vector<16xi32>
      %shift_left3A_667 = arith.shli %and3A_664, %shift_left3A_666 : vector<16xi32>
      %broadcast_in_dim3A_668 = arith.constant 0.000000e+00 : f32
      %broadcast_in_dim3A_669 = vector.broadcast %broadcast_in_dim3A_668 : f32 to vector<16xf32>
      %broadcast_in_dim3A_670 = arith.constant 0.000000e+00 : f32
      %broadcast_in_dim3A_671 = vector.broadcast %broadcast_in_dim3A_670 : f32 to vector<16xf32>
      %add3A_672 = arith.constant 0 : i32
      %add3A_673 = vector.broadcast %add3A_672 : i32 to vector<16xi32>
      %add3A_674 = arith.addi %shift_left3A_661, %add3A_673 : vector<16xi32>
      %gather3A_675 = tpu.vector_load_idx %arg12[%add3A_645, %add3A_674] : memref<256x128xf32, #tpu.memory_space<vmem>>[vector<16xi32>, vector<16xi32>], vector<16xf32>,
      %add3A_676 = arith.constant 0 : i32
      %add3A_677 = vector.broadcast %add3A_676 : i32 to vector<16xi32>
      %add3A_678 = arith.addi %shift_left3A_667, %add3A_677 : vector<16xi32>
      %gather3A_679 = tpu.vector_load_idx %arg13[%add3A_645, %add3A_678] : memref<256x128xf32, #tpu.memory_space<vmem>>[vector<16xi32>, vector<16xi32>], vector<16xf32>,
      %mul3A_680 = arith.mulf %gather3A_675, %gather3A_679 : vector<16xf32>
      %mul3A_681 = arith.mulf %mul3A_680, %gather3A_5 : vector<16xf32>
      %add3A_682 = arith.addf %broadcast_in_dim3A_669, %mul3A_681 : vector<16xf32>
      %mul3A_683 = arith.mulf %mul3A_681, %mul3A_681 : vector<16xf32>
      %add3A_684 = arith.addf %broadcast_in_dim3A_671, %mul3A_683 : vector<16xf32>
      %add3A_685 = arith.constant 1 : i32
      %add3A_686 = vector.broadcast %add3A_685 : i32 to vector<16xi32>
      %add3A_687 = arith.addi %shift_left3A_661, %add3A_686 : vector<16xi32>
      %gather3A_688 = tpu.vector_load_idx %arg12[%add3A_645, %add3A_687] : memref<256x128xf32, #tpu.memory_space<vmem>>[vector<16xi32>, vector<16xi32>], vector<16xf32>,
      %add3A_689 = arith.constant 1 : i32
      %add3A_690 = vector.broadcast %add3A_689 : i32 to vector<16xi32>
      %add3A_691 = arith.addi %shift_left3A_667, %add3A_690 : vector<16xi32>
      %gather3A_692 = tpu.vector_load_idx %arg13[%add3A_645, %add3A_691] : memref<256x128xf32, #tpu.memory_space<vmem>>[vector<16xi32>, vector<16xi32>], vector<16xf32>,
      %mul3A_693 = arith.mulf %gather3A_688, %gather3A_692 : vector<16xf32>
      %mul3A_694 = arith.mulf %mul3A_693, %gather3A_9 : vector<16xf32>
      %add3A_695 = arith.addf %add3A_682, %mul3A_694 : vector<16xf32>
      %mul3A_696 = arith.mulf %mul3A_694, %mul3A_694 : vector<16xf32>
      %add3A_697 = arith.addf %add3A_684, %mul3A_696 : vector<16xf32>
      %add3A_698 = arith.constant 2 : i32
      %add3A_699 = vector.broadcast %add3A_698 : i32 to vector<16xi32>
      %add3A_700 = arith.addi %shift_left3A_661, %add3A_699 : vector<16xi32>
      %gather3A_701 = tpu.vector_load_idx %arg12[%add3A_645, %add3A_700] : memref<256x128xf32, #tpu.memory_space<vmem>>[vector<16xi32>, vector<16xi32>], vector<16xf32>,
      %add3A_702 = arith.constant 2 : i32
      %add3A_703 = vector.broadcast %add3A_702 : i32 to vector<16xi32>
      %add3A_704 = arith.addi %shift_left3A_667, %add3A_703 : vector<16xi32>
      %gather3A_705 = tpu.vector_load_idx %arg13[%add3A_645, %add3A_704] : memref<256x128xf32, #tpu.memory_space<vmem>>[vector<16xi32>, vector<16xi32>], vector<16xf32>,
      %mul3A_706 = arith.mulf %gather3A_701, %gather3A_705 : vector<16xf32>
      %mul3A_707 = arith.mulf %mul3A_706, %gather3A_13 : vector<16xf32>
      %add3A_708 = arith.addf %add3A_695, %mul3A_707 : vector<16xf32>
      %mul3A_709 = arith.mulf %mul3A_707, %mul3A_707 : vector<16xf32>
      %add3A_710 = arith.addf %add3A_697, %mul3A_709 : vector<16xf32>
      %add3A_711 = arith.constant 3 : i32
      %add3A_712 = vector.broadcast %add3A_711 : i32 to vector<16xi32>
      %add3A_713 = arith.addi %shift_left3A_661, %add3A_712 : vector<16xi32>
      %gather3A_714 = tpu.vector_load_idx %arg12[%add3A_645, %add3A_713] : memref<256x128xf32, #tpu.memory_space<vmem>>[vector<16xi32>, vector<16xi32>], vector<16xf32>,
      %add3A_715 = arith.constant 3 : i32
      %add3A_716 = vector.broadcast %add3A_715 : i32 to vector<16xi32>
      %add3A_717 = arith.addi %shift_left3A_667, %add3A_716 : vector<16xi32>
      %gather3A_718 = tpu.vector_load_idx %arg13[%add3A_645, %add3A_717] : memref<256x128xf32, #tpu.memory_space<vmem>>[vector<16xi32>, vector<16xi32>], vector<16xf32>,
      %mul3A_719 = arith.mulf %gather3A_714, %gather3A_718 : vector<16xf32>
      %mul3A_720 = arith.mulf %mul3A_719, %gather3A_17 : vector<16xf32>
      %add3A_721 = arith.addf %add3A_708, %mul3A_720 : vector<16xf32>
      %mul3A_722 = arith.mulf %mul3A_720, %mul3A_720 : vector<16xf32>
      %add3A_723 = arith.addf %add3A_710, %mul3A_722 : vector<16xf32>
      %add3A_724 = arith.constant 4 : i32
      %add3A_725 = vector.broadcast %add3A_724 : i32 to vector<16xi32>
      %add3A_726 = arith.addi %shift_left3A_661, %add3A_725 : vector<16xi32>
      %gather3A_727 = tpu.vector_load_idx %arg12[%add3A_645, %add3A_726] : memref<256x128xf32, #tpu.memory_space<vmem>>[vector<16xi32>, vector<16xi32>], vector<16xf32>,
      %add3A_728 = arith.constant 4 : i32
      %add3A_729 = vector.broadcast %add3A_728 : i32 to vector<16xi32>
      %add3A_730 = arith.addi %shift_left3A_667, %add3A_729 : vector<16xi32>
      %gather3A_731 = tpu.vector_load_idx %arg13[%add3A_645, %add3A_730] : memref<256x128xf32, #tpu.memory_space<vmem>>[vector<16xi32>, vector<16xi32>], vector<16xf32>,
      %mul3A_732 = arith.mulf %gather3A_727, %gather3A_731 : vector<16xf32>
      %mul3A_733 = arith.mulf %mul3A_732, %gather3A_21 : vector<16xf32>
      %add3A_734 = arith.addf %add3A_721, %mul3A_733 : vector<16xf32>
      %mul3A_735 = arith.mulf %mul3A_733, %mul3A_733 : vector<16xf32>
      %add3A_736 = arith.addf %add3A_723, %mul3A_735 : vector<16xf32>
      %add3A_737 = arith.constant 5 : i32
      %add3A_738 = vector.broadcast %add3A_737 : i32 to vector<16xi32>
      %add3A_739 = arith.addi %shift_left3A_661, %add3A_738 : vector<16xi32>
      %gather3A_740 = tpu.vector_load_idx %arg12[%add3A_645, %add3A_739] : memref<256x128xf32, #tpu.memory_space<vmem>>[vector<16xi32>, vector<16xi32>], vector<16xf32>,
      %add3A_741 = arith.constant 5 : i32
      %add3A_742 = vector.broadcast %add3A_741 : i32 to vector<16xi32>
      %add3A_743 = arith.addi %shift_left3A_667, %add3A_742 : vector<16xi32>
      %gather3A_744 = tpu.vector_load_idx %arg13[%add3A_645, %add3A_743] : memref<256x128xf32, #tpu.memory_space<vmem>>[vector<16xi32>, vector<16xi32>], vector<16xf32>,
      %mul3A_745 = arith.mulf %gather3A_740, %gather3A_744 : vector<16xf32>
      %mul3A_746 = arith.mulf %mul3A_745, %gather3A_25 : vector<16xf32>
      %add3A_747 = arith.addf %add3A_734, %mul3A_746 : vector<16xf32>
      %mul3A_748 = arith.mulf %mul3A_746, %mul3A_746 : vector<16xf32>
      %add3A_749 = arith.addf %add3A_736, %mul3A_748 : vector<16xf32>
      %add3A_750 = arith.constant 6 : i32
      %add3A_751 = vector.broadcast %add3A_750 : i32 to vector<16xi32>
      %add3A_752 = arith.addi %shift_left3A_661, %add3A_751 : vector<16xi32>
      %gather3A_753 = tpu.vector_load_idx %arg12[%add3A_645, %add3A_752] : memref<256x128xf32, #tpu.memory_space<vmem>>[vector<16xi32>, vector<16xi32>], vector<16xf32>,
      %add3A_754 = arith.constant 6 : i32
      %add3A_755 = vector.broadcast %add3A_754 : i32 to vector<16xi32>
      %add3A_756 = arith.addi %shift_left3A_667, %add3A_755 : vector<16xi32>
      %gather3A_757 = tpu.vector_load_idx %arg13[%add3A_645, %add3A_756] : memref<256x128xf32, #tpu.memory_space<vmem>>[vector<16xi32>, vector<16xi32>], vector<16xf32>,
      %mul3A_758 = arith.mulf %gather3A_753, %gather3A_757 : vector<16xf32>
      %mul3A_759 = arith.mulf %mul3A_758, %gather3A_29 : vector<16xf32>
      %add3A_760 = arith.addf %add3A_747, %mul3A_759 : vector<16xf32>
      %mul3A_761 = arith.mulf %mul3A_759, %mul3A_759 : vector<16xf32>
      %add3A_762 = arith.addf %add3A_749, %mul3A_761 : vector<16xf32>
      %add3A_763 = arith.constant 7 : i32
      %add3A_764 = vector.broadcast %add3A_763 : i32 to vector<16xi32>
      %add3A_765 = arith.addi %shift_left3A_661, %add3A_764 : vector<16xi32>
      %gather3A_766 = tpu.vector_load_idx %arg12[%add3A_645, %add3A_765] : memref<256x128xf32, #tpu.memory_space<vmem>>[vector<16xi32>, vector<16xi32>], vector<16xf32>,
      %add3A_767 = arith.constant 7 : i32
      %add3A_768 = vector.broadcast %add3A_767 : i32 to vector<16xi32>
      %add3A_769 = arith.addi %shift_left3A_667, %add3A_768 : vector<16xi32>
      %gather3A_770 = tpu.vector_load_idx %arg13[%add3A_645, %add3A_769] : memref<256x128xf32, #tpu.memory_space<vmem>>[vector<16xi32>, vector<16xi32>], vector<16xf32>,
      %mul3A_771 = arith.mulf %gather3A_766, %gather3A_770 : vector<16xf32>
      %mul3A_772 = arith.mulf %mul3A_771, %gather3A_33 : vector<16xf32>
      %add3A_773 = arith.addf %add3A_760, %mul3A_772 : vector<16xf32>
      %mul3A_774 = arith.mulf %mul3A_772, %mul3A_772 : vector<16xf32>
      %add3A_775 = arith.addf %add3A_762, %mul3A_774 : vector<16xf32>
      %add3A_776 = arith.constant 8 : i32
      %add3A_777 = vector.broadcast %add3A_776 : i32 to vector<16xi32>
      %add3A_778 = arith.addi %shift_left3A_661, %add3A_777 : vector<16xi32>
      %gather3A_779 = tpu.vector_load_idx %arg12[%add3A_645, %add3A_778] : memref<256x128xf32, #tpu.memory_space<vmem>>[vector<16xi32>, vector<16xi32>], vector<16xf32>,
      %add3A_780 = arith.constant 8 : i32
      %add3A_781 = vector.broadcast %add3A_780 : i32 to vector<16xi32>
      %add3A_782 = arith.addi %shift_left3A_667, %add3A_781 : vector<16xi32>
      %gather3A_783 = tpu.vector_load_idx %arg13[%add3A_645, %add3A_782] : memref<256x128xf32, #tpu.memory_space<vmem>>[vector<16xi32>, vector<16xi32>], vector<16xf32>,
      %mul3A_784 = arith.mulf %gather3A_779, %gather3A_783 : vector<16xf32>
      %mul3A_785 = arith.mulf %mul3A_784, %gather3A_37 : vector<16xf32>
      %add3A_786 = arith.addf %add3A_773, %mul3A_785 : vector<16xf32>
      %mul3A_787 = arith.mulf %mul3A_785, %mul3A_785 : vector<16xf32>
      %add3A_788 = arith.addf %add3A_775, %mul3A_787 : vector<16xf32>
      %add3A_789 = arith.constant 9 : i32
      %add3A_790 = vector.broadcast %add3A_789 : i32 to vector<16xi32>
      %add3A_791 = arith.addi %shift_left3A_661, %add3A_790 : vector<16xi32>
      %gather3A_792 = tpu.vector_load_idx %arg12[%add3A_645, %add3A_791] : memref<256x128xf32, #tpu.memory_space<vmem>>[vector<16xi32>, vector<16xi32>], vector<16xf32>,
      %add3A_793 = arith.constant 9 : i32
      %add3A_794 = vector.broadcast %add3A_793 : i32 to vector<16xi32>
      %add3A_795 = arith.addi %shift_left3A_667, %add3A_794 : vector<16xi32>
      %gather3A_796 = tpu.vector_load_idx %arg13[%add3A_645, %add3A_795] : memref<256x128xf32, #tpu.memory_space<vmem>>[vector<16xi32>, vector<16xi32>], vector<16xf32>,
      %mul3A_797 = arith.mulf %gather3A_792, %gather3A_796 : vector<16xf32>
      %mul3A_798 = arith.mulf %mul3A_797, %gather3A_41 : vector<16xf32>
      %add3A_799 = arith.addf %add3A_786, %mul3A_798 : vector<16xf32>
      %mul3A_800 = arith.mulf %mul3A_798, %mul3A_798 : vector<16xf32>
      %add3A_801 = arith.addf %add3A_788, %mul3A_800 : vector<16xf32>
      %add3A_802 = arith.constant 10 : i32
      %add3A_803 = vector.broadcast %add3A_802 : i32 to vector<16xi32>
      %add3A_804 = arith.addi %shift_left3A_661, %add3A_803 : vector<16xi32>
      %gather3A_805 = tpu.vector_load_idx %arg12[%add3A_645, %add3A_804] : memref<256x128xf32, #tpu.memory_space<vmem>>[vector<16xi32>, vector<16xi32>], vector<16xf32>,
      %add3A_806 = arith.constant 10 : i32
      %add3A_807 = vector.broadcast %add3A_806 : i32 to vector<16xi32>
      %add3A_808 = arith.addi %shift_left3A_667, %add3A_807 : vector<16xi32>
      %gather3A_809 = tpu.vector_load_idx %arg13[%add3A_645, %add3A_808] : memref<256x128xf32, #tpu.memory_space<vmem>>[vector<16xi32>, vector<16xi32>], vector<16xf32>,
      %mul3A_810 = arith.mulf %gather3A_805, %gather3A_809 : vector<16xf32>
      %mul3A_811 = arith.mulf %mul3A_810, %gather3A_45 : vector<16xf32>
      %add3A_812 = arith.addf %add3A_799, %mul3A_811 : vector<16xf32>
      %mul3A_813 = arith.mulf %mul3A_811, %mul3A_811 : vector<16xf32>
      %add3A_814 = arith.addf %add3A_801, %mul3A_813 : vector<16xf32>
      %add3A_815 = arith.constant 11 : i32
      %add3A_816 = vector.broadcast %add3A_815 : i32 to vector<16xi32>
      %add3A_817 = arith.addi %shift_left3A_661, %add3A_816 : vector<16xi32>
      %gather3A_818 = tpu.vector_load_idx %arg12[%add3A_645, %add3A_817] : memref<256x128xf32, #tpu.memory_space<vmem>>[vector<16xi32>, vector<16xi32>], vector<16xf32>,
      %add3A_819 = arith.constant 11 : i32
      %add3A_820 = vector.broadcast %add3A_819 : i32 to vector<16xi32>
      %add3A_821 = arith.addi %shift_left3A_667, %add3A_820 : vector<16xi32>
      %gather3A_822 = tpu.vector_load_idx %arg13[%add3A_645, %add3A_821] : memref<256x128xf32, #tpu.memory_space<vmem>>[vector<16xi32>, vector<16xi32>], vector<16xf32>,
      %mul3A_823 = arith.mulf %gather3A_818, %gather3A_822 : vector<16xf32>
      %mul3A_824 = arith.mulf %mul3A_823, %gather3A_49 : vector<16xf32>
      %add3A_825 = arith.addf %add3A_812, %mul3A_824 : vector<16xf32>
      %mul3A_826 = arith.mulf %mul3A_824, %mul3A_824 : vector<16xf32>
      %add3A_827 = arith.addf %add3A_814, %mul3A_826 : vector<16xf32>
      %add3A_828 = arith.constant 12 : i32
      %add3A_829 = vector.broadcast %add3A_828 : i32 to vector<16xi32>
      %add3A_830 = arith.addi %shift_left3A_661, %add3A_829 : vector<16xi32>
      %gather3A_831 = tpu.vector_load_idx %arg12[%add3A_645, %add3A_830] : memref<256x128xf32, #tpu.memory_space<vmem>>[vector<16xi32>, vector<16xi32>], vector<16xf32>,
      %add3A_832 = arith.constant 12 : i32
      %add3A_833 = vector.broadcast %add3A_832 : i32 to vector<16xi32>
      %add3A_834 = arith.addi %shift_left3A_667, %add3A_833 : vector<16xi32>
      %gather3A_835 = tpu.vector_load_idx %arg13[%add3A_645, %add3A_834] : memref<256x128xf32, #tpu.memory_space<vmem>>[vector<16xi32>, vector<16xi32>], vector<16xf32>,
      %mul3A_836 = arith.mulf %gather3A_831, %gather3A_835 : vector<16xf32>
      %mul3A_837 = arith.mulf %mul3A_836, %gather3A_53 : vector<16xf32>
      %add3A_838 = arith.addf %add3A_825, %mul3A_837 : vector<16xf32>
      %mul3A_839 = arith.mulf %mul3A_837, %mul3A_837 : vector<16xf32>
      %add3A_840 = arith.addf %add3A_827, %mul3A_839 : vector<16xf32>
      %add3A_841 = arith.constant 13 : i32
      %add3A_842 = vector.broadcast %add3A_841 : i32 to vector<16xi32>
      %add3A_843 = arith.addi %shift_left3A_661, %add3A_842 : vector<16xi32>
      %gather3A_844 = tpu.vector_load_idx %arg12[%add3A_645, %add3A_843] : memref<256x128xf32, #tpu.memory_space<vmem>>[vector<16xi32>, vector<16xi32>], vector<16xf32>,
      %add3A_845 = arith.constant 13 : i32
      %add3A_846 = vector.broadcast %add3A_845 : i32 to vector<16xi32>
      %add3A_847 = arith.addi %shift_left3A_667, %add3A_846 : vector<16xi32>
      %gather3A_848 = tpu.vector_load_idx %arg13[%add3A_645, %add3A_847] : memref<256x128xf32, #tpu.memory_space<vmem>>[vector<16xi32>, vector<16xi32>], vector<16xf32>,
      %mul3A_849 = arith.mulf %gather3A_844, %gather3A_848 : vector<16xf32>
      %mul3A_850 = arith.mulf %mul3A_849, %gather3A_57 : vector<16xf32>
      %add3A_851 = arith.addf %add3A_838, %mul3A_850 : vector<16xf32>
      %mul3A_852 = arith.mulf %mul3A_850, %mul3A_850 : vector<16xf32>
      %add3A_853 = arith.addf %add3A_840, %mul3A_852 : vector<16xf32>
      %add3A_854 = arith.constant 14 : i32
      %add3A_855 = vector.broadcast %add3A_854 : i32 to vector<16xi32>
      %add3A_856 = arith.addi %shift_left3A_661, %add3A_855 : vector<16xi32>
      %gather3A_857 = tpu.vector_load_idx %arg12[%add3A_645, %add3A_856] : memref<256x128xf32, #tpu.memory_space<vmem>>[vector<16xi32>, vector<16xi32>], vector<16xf32>,
      %add3A_858 = arith.constant 14 : i32
      %add3A_859 = vector.broadcast %add3A_858 : i32 to vector<16xi32>
      %add3A_860 = arith.addi %shift_left3A_667, %add3A_859 : vector<16xi32>
      %gather3A_861 = tpu.vector_load_idx %arg13[%add3A_645, %add3A_860] : memref<256x128xf32, #tpu.memory_space<vmem>>[vector<16xi32>, vector<16xi32>], vector<16xf32>,
      %mul3A_862 = arith.mulf %gather3A_857, %gather3A_861 : vector<16xf32>
      %mul3A_863 = arith.mulf %mul3A_862, %gather3A_61 : vector<16xf32>
      %add3A_864 = arith.addf %add3A_851, %mul3A_863 : vector<16xf32>
      %mul3A_865 = arith.mulf %mul3A_863, %mul3A_863 : vector<16xf32>
      %add3A_866 = arith.addf %add3A_853, %mul3A_865 : vector<16xf32>
      %add3A_867 = arith.constant 15 : i32
      %add3A_868 = vector.broadcast %add3A_867 : i32 to vector<16xi32>
      %add3A_869 = arith.addi %shift_left3A_661, %add3A_868 : vector<16xi32>
      %gather3A_870 = tpu.vector_load_idx %arg12[%add3A_645, %add3A_869] : memref<256x128xf32, #tpu.memory_space<vmem>>[vector<16xi32>, vector<16xi32>], vector<16xf32>,
      %add3A_871 = arith.constant 15 : i32
      %add3A_872 = vector.broadcast %add3A_871 : i32 to vector<16xi32>
      %add3A_873 = arith.addi %shift_left3A_667, %add3A_872 : vector<16xi32>
      %gather3A_874 = tpu.vector_load_idx %arg13[%add3A_645, %add3A_873] : memref<256x128xf32, #tpu.memory_space<vmem>>[vector<16xi32>, vector<16xi32>], vector<16xf32>,
      %mul3A_875 = arith.mulf %gather3A_870, %gather3A_874 : vector<16xf32>
      %mul3A_876 = arith.mulf %mul3A_875, %gather3A_65 : vector<16xf32>
      %add3A_877 = arith.addf %add3A_864, %mul3A_876 : vector<16xf32>
      %mul3A_878 = arith.mulf %mul3A_876, %mul3A_876 : vector<16xf32>
      %add3A_879 = arith.addf %add3A_866, %mul3A_878 : vector<16xf32>
      %mul3A_880 = arith.constant 16 : i32
      %mul3A_881 = arith.muli %scan3A_641, %mul3A_880 : i32
      %add3A_882 = arith.constant 256 : i32
      %add3A_883 = arith.addi %add3A_882, %mul3A_881 : i32
      %swap3A_884 = arith.index_cast %add3A_883 : i32 to index
      %swap3A_885 = tpu.vector_load %arg15[%swap3A_884] {strides = array<i32>} : memref<512xf32, #tpu.memory_space<vmem>>, vector<16xf32>,
      tpu.vector_store %arg15[%swap3A_884], %add3A_877 {strides = array<i32>} : memref<512xf32, #tpu.memory_space<vmem>>, vector<16xf32>,
      %mul3A_886 = arith.constant 16 : i32
      %mul3A_887 = arith.muli %scan3A_641, %mul3A_886 : i32
      %add3A_888 = arith.constant 256 : i32
      %add3A_889 = arith.addi %add3A_888, %mul3A_887 : i32
      %swap3A_890 = arith.index_cast %add3A_889 : i32 to index
      %swap3A_891 = tpu.vector_load %arg16[%swap3A_890] {strides = array<i32>} : memref<512xf32, #tpu.memory_space<vmem>>, vector<16xf32>,
      tpu.vector_store %arg16[%swap3A_890], %add3A_879 {strides = array<i32>} : memref<512xf32, #tpu.memory_space<vmem>>, vector<16xf32>,
    }
    %scan3A_640 = arith.constant 16 : i32
    "tpu.region"() ({
      %run_scoped3A = tpu.sem_alloc : memref<!tpu.dma_semaphore, #tpu.memory_space<semaphore_mem>>
      %dma_start3A_641 = tpu.memref_slice %arg6[%mul3A_2] : memref<16384xf32, #tpu.memory_space<hbm>> -> memref<512xf32, #tpu.memory_space<hbm>>
      %dma_start3A_642 = tpu.memref_slice %arg6[%mul3A_2] : memref<16384xf32, #tpu.memory_space<hbm>> -> memref<512xf32, #tpu.memory_space<hbm>>
      tpu.enqueue_dma source(%arg15 : memref<512xf32, #tpu.memory_space<vmem>>) target(%dma_start3A_642 : memref<512xf32, #tpu.memory_space<hbm>>) target_semaphore(%run_scoped3A : memref<!tpu.dma_semaphore, #tpu.memory_space<semaphore_mem>>)
      %dma_wait3A_643 = tpu.memref_slice %arg6[%mul3A_2] : memref<16384xf32, #tpu.memory_space<hbm>> -> memref<512xf32, #tpu.memory_space<hbm>>
      %dma_wait3A_644 = tpu.memref_slice %arg6[%mul3A_2] : memref<16384xf32, #tpu.memory_space<hbm>> -> memref<512xf32, #tpu.memory_space<hbm>>
      tpu.wait_dma2 semaphore(%run_scoped3A : memref<!tpu.dma_semaphore, #tpu.memory_space<semaphore_mem>>) src(%arg15 : memref<512xf32, #tpu.memory_space<vmem>>) dst(%dma_wait3A_644 : memref<512xf32, #tpu.memory_space<hbm>>)
      tpu.yield
    }) : () -> ()
    "tpu.region"() ({
      %run_scoped3A = tpu.sem_alloc : memref<!tpu.dma_semaphore, #tpu.memory_space<semaphore_mem>>
      %dma_start3A_641 = tpu.memref_slice %arg7[%mul3A_2] : memref<16384xf32, #tpu.memory_space<hbm>> -> memref<512xf32, #tpu.memory_space<hbm>>
      %dma_start3A_642 = tpu.memref_slice %arg7[%mul3A_2] : memref<16384xf32, #tpu.memory_space<hbm>> -> memref<512xf32, #tpu.memory_space<hbm>>
      tpu.enqueue_dma source(%arg16 : memref<512xf32, #tpu.memory_space<vmem>>) target(%dma_start3A_642 : memref<512xf32, #tpu.memory_space<hbm>>) target_semaphore(%run_scoped3A : memref<!tpu.dma_semaphore, #tpu.memory_space<semaphore_mem>>)
      %dma_wait3A_643 = tpu.memref_slice %arg7[%mul3A_2] : memref<16384xf32, #tpu.memory_space<hbm>> -> memref<512xf32, #tpu.memory_space<hbm>>
      %dma_wait3A_644 = tpu.memref_slice %arg7[%mul3A_2] : memref<16384xf32, #tpu.memory_space<hbm>> -> memref<512xf32, #tpu.memory_space<hbm>>
      tpu.wait_dma2 semaphore(%run_scoped3A : memref<!tpu.dma_semaphore, #tpu.memory_space<semaphore_mem>>) src(%arg16 : memref<512xf32, #tpu.memory_space<vmem>>) dst(%dma_wait3A_644 : memref<512xf32, #tpu.memory_space<hbm>>)
      tpu.yield
    }) : () -> ()
    return
  }
}

</mosaic_0001>

<sc_bundles>
// kernel: kernel.3.cloned.1.call-start
scs
__scs_entry_jumppad:
0x0: {  	(pc) =	sbr.rel $0x88, $3  }
0x1: {  	(tag) =	ssettag $0x0;
	lr =	simm.s32 $0x1  }
0x2: {  	[smem:$0x3F9D] =	sst lr;
	_ =	strace $0xD0000000  }
0x3: {  	_ = 	snop  }
0x4: {  	_ = 	snop  }
0x5: {  	_ = 	snop  }
0x6: {  	_ = 	snop  }
0x7: {  	_ = 	snop  }
__scs_overlays_trampoline_lowered:
0x8: {  	[smem:$0x3FAC] =	sst s0  }
0x9: {  	[smem:$0x3FAD] =	sst s1  }
0xa: {  	[smem:$0x3FAE] =	sst s2  }
0xb: {  	[smem:$0x3FAF] =	sst s3  }
0xc: {  	[smem:$0x3FB0] =	sst s4  }
0xd: {  	[smem:$0x3FB1] =	sst s5  }
0xe: {  	[smem:$0x3FB2] =	sst s6  }
0xf: {  	[smem:$0x3FB3] =	sst s7  }
0x10: {  	[smem:$0x3FB4] =	sst s8  }
0x11: {  	[smem:$0x3FB5] =	sst s9;
	s0 =	simm.s32 @!p0 $0x0  }
0x12: {  	s1 =	sld [smem:$0x3F9B];
	s0 =	simm.s32 @p0 $0x1  }
0x13: {  	[smem:$0x3FB6] =	sst s0;
	s0 =	simm.s32 @!p1 $0x0  }
0x14: {  	s2 =	sld [smem:$0x3F9A];
	s0 =	simm.s32 @p1 $0x1  }
0x15: {  	[smem:$0x3FB7] =	sst s0;
	s0 =	simm.s32 @!p2 $0x0  }
0x16: {  	s3 =	sld [smem:$0x3FDB];
	s0 =	simm.s32 @p2 $0x1  }
0x17: {  	s4 =	simm.s32 $0x1BF5;
	[smem:$0x3FB9] =	sst s0  }
0x18: {  	s0 =	sld [smem:$0x3F9C];
	_ =	swait.ge [sflag:s4], $0x0  }
0x19: {  	s7 =	sld [smem:$0x3F9D]  }
0x1a: {  	s8 =	sadd.s32 $0xFFFFE003, lr  }
0x1b: {  	s9 =	sadd.s32 $0xFFFFFEF7, lr;
	s5 =	simm.s32 $0xFFFFFFFF;
	p2 =	slt.u32 s8, $0xFFFFF086  }
0x1c: {  	p1 =	slt.u32 s9, $0xF7A;
	s5 =	simm.s32 @!p2 $0x0  }
0x1d: {  	s5 =	simm.s32 @p1 $0x1;
	p0 =	seq.s32 s7, s2  }
0x1e: {  	s7 =	smul.u32 @!p0 $0xF7A, s2;
	p2 =	seq.s32 @!p0 s5, $0x0  }
0x1f: {  	s9 =	smul.u32 $0xF7A, s1;
	s8 =	simm.s32 @!p0 $0x1BF5;
	p2 =	por !p2, p0  }
0x20: {  	[sflag:s8] =	ssyncset.s32 @!p0 $0xFFFFF086;
	s6 =	sadd.s32 @!p0 s3, s7;
	s7 =	simm.s32 @!p0 $0x108  }
0x21: {  	s3 =	sadd.s32 s3, s9;
	s6 =	sadd.s32 @!p0 $0x88, s6;
	s7 =	simm.s32 @p2 $0x1082  }
0x22: {  	[simem:s7], [sflag:s8] =	dma.local @!p0 [hbm:s6], $0xF7A  }
0x23: {  	s9 =	sor.u32 $0xD0000000, s2;
	s6 =	simm.s32 $0x108;
	_ =	swait.ge @!p0 [sflag:s8], $0x0  }
0x24: {  	s3 =	sadd.s32 $0x88, s3;
	s6 =	simm.s32 @!p1 $0x1082;
	[sflag:s4] =	ssyncset.s32 $0xFFFFF086  }
0x25: {  	[simem:s6], [sflag:s4] =	dma.local [hbm:s3], $0xF7A  }
0x26: {  	[smem:$0x3F9D] =	sst s1;
	(tag) =	ssettag s2;
	_ =	strace s9  }
0x27: {  	s1 =	sld [smem:$0x3FAD]  }
0x28: {  	s2 =	sld [smem:$0x3FAE]  }
0x29: {  	s4 =	sld [smem:$0x3FB0]  }
0x2a: {  	p0 =	seq.s32 s5, $0x0;
	s5 =	sld [smem:$0x3FB1]  }
0x2b: {  	s6 =	sld [smem:$0x3FB2]  }
0x2c: {  	s7 =	sld [smem:$0x3FB3]  }
0x2d: {  	s3 =	simm.s32 $0x108;
	s8 =	sld [smem:$0x3FB4]  }
0x2e: {  	s3 =	simm.s32 @!p0 $0x1082;
	s9 =	sld [smem:$0x3FB5]  }
0x2f: {  	lr =	sadd.s32 s0, s3;
	s0 =	sld [smem:$0x3FAC]  }
0x30: {  	s3 =	sld [smem:$0x3FAF]  }
0x31: {  	[smem:$0x3FB8] =	sst s10  }
0x32: {  	s10 =	sld [smem:$0x3FB6];
	_ =	sdelay $0x3  }
0x33: {  	p0 =	seq.s32 s10, $0x1;
	s10 =	sld [smem:$0x3FB8];
	_ =	sdelay $0x3  }
0x34: {  	[smem:$0x3FB8] =	sst s10  }
0x35: {  	s10 =	sld [smem:$0x3FB7];
	_ =	sdelay $0x3  }
0x36: {  	p1 =	seq.s32 s10, $0x1;
	s10 =	sld [smem:$0x3FB8];
	_ =	sdelay $0x3  }
0x37: {  	[smem:$0x3FB8] =	sst s10  }
0x38: {  	s10 =	sld [smem:$0x3FB9]  }
0x39: {  	_ = 	snop;
	(pc) =	sbr.ind lr, $3  }
0x3a: {  	_ = 	snop  }
0x3b: {  	_ = 	snop  }
0x3c: {  	p2 =	seq.s32 s10, $0x1;
	s10 =	sld [smem:$0x3FB8]  }
0x3d: {  	_ =	shalt  }
0x3e: {  	_ =	shalt  }
0x3f: {  	_ =	shalt  }
0x40: {  	_ =	shalt  }
0x41: {  	_ =	shalt  }
0x42: {  	_ =	shalt  }
0x43: {  	_ =	shalt  }
0x44: {  	_ =	shalt  }
0x45: {  	_ =	shalt  }
0x46: {  	_ =	shalt  }
0x47: {  	_ =	shalt  }
0x48: {  	_ =	shalt  }
0x49: {  	_ =	shalt  }
0x4a: {  	_ =	shalt  }
0x4b: {  	_ =	shalt  }
0x4c: {  	_ =	shalt  }
0x4d: {  	_ =	shalt  }
0x4e: {  	_ =	shalt  }
0x4f: {  	_ =	shalt  }
0x50: {  	_ =	shalt  }
0x51: {  	_ =	shalt  }
0x52: {  	_ =	shalt  }
0x53: {  	_ =	shalt  }
0x54: {  	_ =	shalt  }
0x55: {  	_ =	shalt  }
0x56: {  	_ =	shalt  }
0x57: {  	_ =	shalt  }
0x58: {  	_ =	shalt  }
0x59: {  	_ =	shalt  }
0x5a: {  	_ =	shalt  }
0x5b: {  	_ =	shalt  }
0x5c: {  	_ =	shalt  }
0x5d: {  	_ =	shalt  }
0x5e: {  	_ =	shalt  }
0x5f: {  	_ =	shalt  }
0x60: {  	_ =	shalt  }
0x61: {  	_ =	shalt  }
0x62: {  	_ =	shalt  }
0x63: {  	_ =	shalt  }
0x64: {  	_ =	shalt  }
0x65: {  	_ =	shalt  }
0x66: {  	_ =	shalt  }
0x67: {  	_ =	shalt  }
0x68: {  	_ =	shalt  }
0x69: {  	_ =	shalt  }
0x6a: {  	_ =	shalt  }
0x6b: {  	_ =	shalt  }
0x6c: {  	_ =	shalt  }
0x6d: {  	_ =	shalt  }
0x6e: {  	_ =	shalt  }
0x6f: {  	_ =	shalt  }
0x70: {  	_ =	shalt  }
0x71: {  	_ =	shalt  }
0x72: {  	_ =	shalt  }
0x73: {  	_ =	shalt  }
0x74: {  	_ =	shalt  }
0x75: {  	_ =	shalt  }
0x76: {  	_ =	shalt  }
0x77: {  	_ =	shalt  }
0x78: {  	_ =	shalt  }
0x79: {  	_ =	shalt  }
0x7a: {  	_ =	shalt  }
0x7b: {  	_ =	shalt  }
0x7c: {  	_ =	shalt  }
0x7d: {  	_ =	shalt  }
0x7e: {  	_ =	shalt  }
0x7f: {  	_ =	shalt  }
0x80: {  	_ =	shalt  }
0x81: {  	_ =	shalt  }
0x82: {  	_ =	shalt  }
0x83: {  	_ =	shalt  }
0x84: {  	_ =	shalt  }
0x85: {  	_ =	shalt  }
0x86: {  	_ =	shalt  }
0x87: {  	_ =	shalt  }
.Lfunc_end0:
.L_simem_size_0:
called_computation_lowered:
.L_overlay_start_0:
0x88: {  	s2 =	sld [smem:$0x3FD9]  }
0x89: {  	s3 =	sld [smem:$0x3FFE];
	_ =	sdelay $0x1  }
0x8a: {  	s1 =	srdreg.scid  }
0x8b: {  	s0 =	sand.u32 $0x1, s1  }
0x8c: {  	s14 =	sshll.u32 s0, $0xA;
	s2 =	sadd.s32 s3, s2  }
0x8d: {  	s2 =	sadd.s32 s2, s14  }
0x8e: {  	[smem:$0x3FC4] =	sst s2  }
0x8f: {  	_ = 	snop  }
0x90: {  	s2 =	sld [smem:$0x3FD0];
	_ =	sdelay $0x1  }
0x91: {  	s15 =	sld [smem:$0x3FC7]  }
0x92: {  	s5 =	simm.s32 $0xA;
	s6 =	simm.s32 $0x10;
	s4 =	sld [smem:$0x3FC6]  }
0x93: {  	[smem:s6], [sflag:s5] =	dma.local [hbm:s2], $0x1  }
0x94: {  	_ =	swait.eq [sflag:s5], $0x1  }
0x95: {  	[sflag:s5] =	ssyncset.done $0x0  }
0x96: {  	s16 =	sld [smem:$0x10];
	[sflag:s5] =	ssyncadd.s32 $0xFFFFFFFF  }
0x97: {  	s17 =	sld [smem:$0x11];
	(tm) =	ssettm $0x1  }
0x98: {  	s18 =	sld [smem:$0x3FFB];
	_ =	sdelay $0x3  }
0x99: {  	_ =	strace s18  }
0x9a: {  	s6 =	sld [smem:$0x3FFC];
	_ =	sdelay $0x3  }
0x9b: {  	_ =	strace s6  }
0x9c: {  	s6 =	sld [smem:$0x3FFD];
	_ =	sdelay $0x3  }
0x9d: {  	_ =	strace s6  }
0x9e: {  	_ =	strace $0x8FFFFFFF  }
0x9f: {  	s19 =	sld [smem:$0x3FDB];
	_ =	sdelay $0x1  }
0xa0: {  	s7 =	simm.s32 $_scs_section_size  }
0xa1: {  	s8 =	simm.s32 $_size__tile_overlayer_lowered;
	s9 =	simm.s32 $_tile_overlayer_lowered  }
0xa2: {  	s22 =	simm.s32 $0x1BFF;
	s21 =	sshll.u32 s9, $0x1;
	s6 =	sadd.s32 s7, s19  }
0xa3: {  	s10 =	simm.s32 $0x0;
	s20 =	sshll.u32 s8, $0x1;
	s8 =	sadd.s32 s21, s6  }
0xa4: {  	[timem:s10], [sflag:s22] =	dma.local [hbm:s8], s20  }
0xa5: {  	_ =	swait.ge [sflag:s22], s20  }
0xa6: {  	s7 =	ssub.s32 $0x0, s20;
	[sflag:s22] =	ssyncset.done $0x0  }
0xa7: {  	[sflag:s22] =	ssyncadd.s32 s7;
	_ =	sdelay $0x1  }
0xa8: {  	s23 =	simm.s32 $0x1B8B  }
0xa9: {  	_ =	swait.ge [sflag:s23], $0x1  }
0xaa: {  	[sflag:s23] =	ssyncset.done $0x0  }
0xab: {  	s25 =	simm.s32 $0x1B8E;
	s24 =	sld [smem:$0x3FFE];
	[sflag:s23] =	ssyncadd.s32 $0xFFFFFFFF  }
0xac: {  	s26 =	simm.s32 $execute0_lowered;
	[smem:$0x3FD2] =	sst s25  }
0xad: {  	s8 =	sshll.u32 s26, $0x1;
	_ =	strace $0x80000046;
	[dreg:$0x1] =	wrdreg $0xFFFFFFFF  }
0xae: {  	s28 =	simm.s32 $_size_execute0_lowered;
	s6 =	sadd.s32 s6, s8;
	[dreg:$0x0] =	wrdreg $0x0  }
0xaf: {  	s8 =	sshll.u32 s28, $0x1;
	[dreg:$0x2] =	wrdreg s6  }
0xb0: {  	[dreg:$0x3] =	wrdreg s8  }
0xb1: {  	[dreg:$0x4] =	wrdreg $0xC0  }
0xb2: {  	_ =	task [dreg:s10], $0x5FFFF  }
0xb3: {  	[dreg:$0x1] =	wrdreg $0xFFFFFFFF  }
0xb4: {  	[dreg:$0x0] =	wrdreg $0x60  }
0xb5: {  	[dreg:$0x2] =	wrdreg s24  }
0xb6: {  	[dreg:$0x3] =	wrdreg s15  }
0xb7: {  	[dreg:$0x4] =	wrdreg s4  }
0xb8: {  	[dreg:$0x5] =	wrdreg s16  }
0xb9: {  	[dreg:$0x6] =	wrdreg s17  }
0xba: {  	[dreg:$0x7] =	wrdreg $0x9  }
0xbb: {  	_ =	task.clear_ibuf [dreg:s10], $0x8FFFF;
	_ =	strace $0x90000046  }
0xbc: {  	s29 =	simm.s32 $0x9;
	_ =	strace $0x80000048  }
0xbd: {  	_ =	swait.ge [sflag:s29], $0x1  }
0xbe: {  	[sflag:s29] =	ssyncadd.s32 $0xFFFFFFFF  }
0xbf: {  	_ =	strace $0x90000048  }
0xc0: {  	_ =	sfence  }
0xc1: {  	s30 =	sld [smem:$0x0];
	_ =	sdelay $0x2  }
0xc2: {  	s31 =	sshll.u32 s1, $0xD;
	s1 =	sshrl.u32 s1, $0x2  }
0xc3: {  	s3 =	sand.u32 $0x4000, s31;
	s1 =	sadd.s32 s1, s30  }
0xc4: {  	s0 =	sor.u32 s3, s0;
	s1 =	sshll.u32 s1, $0x11  }
0xc5: {  	s0 =	sor.u32 s1, s0  }
0xc6: {  	s0 =	sadd.s32 $0x8F2B, s0  }
0xc7: {  	[sflag:s0] =	ssyncadd.remote.s32 $0x1  }
0xc8: {  	_ =	sfence.sel $0xFFFF  }
0xc9: {  	[dreg:$0x0] =	wrdreg $0xFFFFFFFF;
	(pc) =	sbr.abs _section_cstart, $3  }
0xca: {  	[dreg:$0x1] =	wrdreg $0xFFFFFFFF  }
0xcb: {  	_ =	task.clear_ibuf [dreg:s10], $0x2FFFF;
	_ =	strace $0x9FFFFFFF  }
0xcc: {  	(tm) =	ssettm $0x7FFFFFFF  }
0xcd: {  	_ =	shalt  }
tec
execute0_lowered:
.L_overlay_start_1:
0x0: {  	(tag) =	ssettag $0x1  }
0x1: {  	s4 =	rddreg [dreg:$0x0]  }
0x2: {  	s5 =	rddreg [dreg:$0x1]  }
0x3: {  	s6 =	rddreg [dreg:$0x2]  }
0x4: {  	s7 =	rddreg [dreg:$0x3]  }
0x5: {  	s8 =	rddreg [dreg:$0x4]  }
0x6: {  	s0 =	rddreg [dreg:$0x5]  }
0x7: {  	s2 =	simm.s32 $0x0;
	s3 =	srdreg.scid;
	s1 =	stileid.u32  }
0x8: {  	s13 =	simm.s32 $0x400;
	s14 =	simm.s32 $0x600;
	s15 =	simm.s32 $0x500  }
0x9: {  	s16 =	simm.s32 $0x8600;
	s17 =	simm.s32 $0x1;
	s18 =	simm.s32 $0x10680  }
0xa: {  	s19 =	simm.s32 $0x10880;
	s20 =	simm.s32 $0x0;
	[smem:$0x7FF] =	sst s2  }
0xb: {  	v0 =	vimm.s32 $0x0;
	v1 =	vimm.s32 $0x1;
	v2 =	vimm.s32 $0x2;
	s3 =	sand.u32 $0x1, s3;
	s10 =	sshll.u32 s1, $0x7;
	_ =	strace $0x80000047  }
0xc: {  	v3 =	vimm.s32 $0x3;
	v4 =	vimm.s32 $0x4;
	v5 =	vimm.s32 $0x5;
	s9 =	ssub.s32 $0x2, s3;
	s11 =	sshll.u32 s3, $0x6;
	s3 =	sadd.s32 $0xF42C00, s4  }
0xd: {  	v6 =	vimm.s32 $0x6;
	v7 =	vimm.s32 $0x7;
	v8 =	vimm.s32 $0x8;
	s4 =	sadd.s32 $0x800, s4;
	s12 =	sshrl.u32 s9, $0x1;
	s10 =	sor.u32 s11, s10  }
0xe: {  	v9 =	vimm.s32 $0x9;
	v10 =	vimm.s32 $0xA;
	v11 =	vimm.s32 $0xB;
	s11 =	simm.s32 $0x10600;
	s9 =	ssub.s32 s9, s12;
	s5 =	sadd.s32 s5, s10  }
0xf: {  	v12 =	vimm.s32 $0xC;
	v13 =	vimm.s32 $0xD;
	v16 =	vlaneseq.u32;
	s6 =	sadd.s32 s6, s10;
	s7 =	sadd.s32 s7, s10;
	s8 =	sadd.s32 s8, s10  }
0x10: {  	v14 =	vimm.s32 $0xE;
	v15 =	vimm.s32 $0xF;
	v16 =	vmul.u32 $0x80, v16;
	s10 =	simm.s32 $0x2;
	s12 =	simm.s32 $0x100;
	s9 =	smax.u32 s9, $0x1  }
.LBB2_1:
0x11: {  	[tilespmem:s2], [sflag:$0x2] =	stream.linear.gather [hbm4b:s5+s2], $0x200, $0x38;
	[tilespmem:$0x10A80] =	vst v63  }
0x12: {  	_ =	swait.ge [sflag:s10], $0x200  }
0x13: {  	[sflag:s10] =	ssyncset.done $0x0  }
0x14: {  	s21 =	simm.s32 $0x200;
	[sflag:s10] =	ssyncadd.s32 $0xFFFFFE00  }
0x15: {  	[tilespmem:s21], [sflag:$0x2] =	stream.linear.gather [hbm4b:s6+s2], $0x200, $0x38;
	[tilespmem:$0x10A80] =	vst v63  }
0x16: {  	_ =	swait.ge [sflag:s10], $0x200  }
0x17: {  	[sflag:s10] =	ssyncset.done $0x0  }
0x18: {  	[sflag:s10] =	ssyncadd.s32 $0xFFFFFE00  }
0x19: {  	[tilespmem:s11], [sflag:$0x2] =	stream.linear.gather [hbm4b:s4+s2], $0x80, $0x38;
	[tilespmem:$0x10A80] =	vst v63  }
0x1a: {  	_ =	swait.ge [sflag:s10], $0x80  }
0x1b: {  	[sflag:s10] =	ssyncset.done $0x0  }
0x1c: {  	[sflag:s10] =	ssyncadd.s32 $0xFFFFFF80  }
0x1d: {  	v17 =	vld [tilespmem:$0x0]  }
0x1e: {  	v18 =	vld [tilespmem:$0x200]  }
0x1f: {  	v19 =	vld [tilespmem:$0x10]  }
0x20: {  	v20 =	vld [tilespmem:$0x210]  }
0x21: {  	v21 =	vld [tilespmem:$0x20]  }
0x22: {  	v22 =	vld [tilespmem:$0x220]  }
0x23: {  	v23 =	vld [tilespmem:$0x30];
	v17 =	vshrl.u32 v17, $0x3;
	v18 =	vshrl.u32 v18, $0x3  }
0x24: {  	[tilespmem:$0x400] =	vst v17;
	v17 =	vadd.s32 $0xF424, v18;
	v18 =	vld [tilespmem:$0x230]  }
0x25: {  	[tilespmem:$0x500] =	vst v17;
	v17 =	vshrl.u32 v19, $0x3;
	v19 =	vshrl.u32 v20, $0x3;
	v20 =	vld [tilespmem:$0x40]  }
0x26: {  	[tilespmem:$0x410] =	vst v17;
	v17 =	vadd.s32 $0xF424, v19;
	v19 =	vld [tilespmem:$0x240]  }
0x27: {  	[tilespmem:$0x510] =	vst v17;
	v17 =	vshrl.u32 v21, $0x3;
	v21 =	vshrl.u32 v22, $0x3;
	v22 =	vld [tilespmem:$0x50]  }
0x28: {  	[tilespmem:$0x420] =	vst v17;
	v17 =	vadd.s32 $0xF424, v21;
	v21 =	vld [tilespmem:$0x250]  }
0x29: {  	[tilespmem:$0x520] =	vst v17;
	v17 =	vshrl.u32 v23, $0x3;
	v18 =	vshrl.u32 v18, $0x3;
	v23 =	vld [tilespmem:$0x60]  }
0x2a: {  	[tilespmem:$0x430] =	vst v17;
	v17 =	vadd.s32 $0xF424, v18;
	v18 =	vld [tilespmem:$0x260]  }
0x2b: {  	[tilespmem:$0x530] =	vst v17;
	v17 =	vshrl.u32 v20, $0x3;
	v19 =	vshrl.u32 v19, $0x3;
	v20 =	vld [tilespmem:$0x70]  }
0x2c: {  	[tilespmem:$0x440] =	vst v17;
	v17 =	vadd.s32 $0xF424, v19;
	v19 =	vld [tilespmem:$0x270]  }
0x2d: {  	[tilespmem:$0x540] =	vst v17;
	v17 =	vshrl.u32 v22, $0x3;
	v21 =	vshrl.u32 v21, $0x3;
	v22 =	vld [tilespmem:$0x80]  }
0x2e: {  	[tilespmem:$0x450] =	vst v17;
	v17 =	vadd.s32 $0xF424, v21;
	v21 =	vld [tilespmem:$0x280]  }
0x2f: {  	[tilespmem:$0x550] =	vst v17;
	v17 =	vshrl.u32 v23, $0x3;
	v18 =	vshrl.u32 v18, $0x3;
	v23 =	vld [tilespmem:$0x90]  }
0x30: {  	[tilespmem:$0x460] =	vst v17;
	v17 =	vadd.s32 $0xF424, v18;
	v18 =	vld [tilespmem:$0x290]  }
0x31: {  	[tilespmem:$0x560] =	vst v17;
	v17 =	vshrl.u32 v20, $0x3;
	v19 =	vshrl.u32 v19, $0x3;
	v20 =	vld [tilespmem:$0xA0]  }
0x32: {  	[tilespmem:$0x470] =	vst v17;
	v17 =	vadd.s32 $0xF424, v19;
	v19 =	vld [tilespmem:$0x2A0]  }
0x33: {  	[tilespmem:$0x570] =	vst v17;
	v17 =	vshrl.u32 v22, $0x3;
	v21 =	vshrl.u32 v21, $0x3;
	v22 =	vld [tilespmem:$0xB0]  }
0x34: {  	[tilespmem:$0x480] =	vst v17;
	v17 =	vadd.s32 $0xF424, v21;
	v21 =	vld [tilespmem:$0x2B0]  }
0x35: {  	[tilespmem:$0x580] =	vst v17;
	v17 =	vshrl.u32 v23, $0x3;
	v18 =	vshrl.u32 v18, $0x3;
	v23 =	vld [tilespmem:$0xC0]  }
0x36: {  	[tilespmem:$0x490] =	vst v17;
	v17 =	vadd.s32 $0xF424, v18;
	v18 =	vld [tilespmem:$0x2C0]  }
0x37: {  	[tilespmem:$0x590] =	vst v17;
	v17 =	vshrl.u32 v20, $0x3;
	v19 =	vshrl.u32 v19, $0x3;
	v20 =	vld [tilespmem:$0xD0]  }
0x38: {  	[tilespmem:$0x4A0] =	vst v17;
	v17 =	vadd.s32 $0xF424, v19;
	v19 =	vld [tilespmem:$0x2D0]  }
0x39: {  	[tilespmem:$0x5A0] =	vst v17;
	v17 =	vshrl.u32 v22, $0x3;
	v21 =	vshrl.u32 v21, $0x3;
	v22 =	vld [tilespmem:$0xE0]  }
0x3a: {  	[tilespmem:$0x4B0] =	vst v17;
	v17 =	vadd.s32 $0xF424, v21;
	v21 =	vld [tilespmem:$0x2E0]  }
0x3b: {  	[tilespmem:$0x5B0] =	vst v17;
	v17 =	vshrl.u32 v23, $0x3;
	v18 =	vshrl.u32 v18, $0x3;
	v23 =	vld [tilespmem:$0xF0]  }
0x3c: {  	[tilespmem:$0x4C0] =	vst v17;
	v17 =	vadd.s32 $0xF424, v18;
	v18 =	vld [tilespmem:$0x2F0]  }
0x3d: {  	[tilespmem:$0x5C0] =	vst v17;
	v17 =	vshrl.u32 v20, $0x3;
	v19 =	vshrl.u32 v19, $0x3  }
0x3e: {  	[tilespmem:$0x4D0] =	vst v17;
	v17 =	vadd.s32 $0xF424, v19  }
0x3f: {  	[tilespmem:$0x5D0] =	vst v17;
	v17 =	vshrl.u32 v22, $0x3;
	v19 =	vshrl.u32 v21, $0x3  }
0x40: {  	[tilespmem:$0x4E0] =	vst v17;
	v17 =	vadd.s32 $0xF424, v19  }
0x41: {  	[tilespmem:$0x5E0] =	vst v17;
	v17 =	vshrl.u32 v23, $0x3;
	v18 =	vshrl.u32 v18, $0x3  }
0x42: {  	[tilespmem:$0x4F0] =	vst v17;
	v17 =	vadd.s32 $0xF424, v18  }
0x43: {  	[tilespmem:$0x5F0] =	vst v17  }
0x44: {  	v32 =	vld [tilespmem:$0x10600];
	[tilespmem:s14], [sflag:$0x1] =	stream.indirect.gather [hbm4b:s3+s12], $0x80, s13, s12, $0xb8  }
0x45: {  	_ = 	snop  }
0x46: {  	[tilespmem:s16], [sflag:$0x1] =	stream.indirect.gather [hbm4b:s3+s12], $0x80, s15, s12, $0xb8;
	[tilespmem:$0x10A80] =	vst v63  }
0x47: {  	_ =	swait.ge [sflag:s17], $0x8000  }
0x48: {  	[sflag:s17] =	ssyncset.done $0x0  }
0x49: {  	[sflag:s17] =	ssyncadd.s32 $0xFFFF8000  }
0x4a: {  	_ =	swait.ge [sflag:s17], $0x8000  }
0x4b: {  	[sflag:s17] =	ssyncset.done $0x0  }
0x4c: {  	[sflag:s17] =	ssyncadd.s32 $0xFFFF8000  }
0x4d: {  	v17 =	vld [tilespmem:s21+$0x0];
	_ =	sdelay $0x2  }
0x4e: {  	v18 =	vld [tilespmem:s2+$0x0]  }
0x4f: {  	v19 =	vmov s2  }
0x50: {  	v19 =	vshll.u32 v19, $0x7;
	v17 =	vshll.u32 v17, $0x4  }
0x51: {  	v19 =	vor.u32 v16, v19;
	v17 =	vand.u32 $0x70, v17  }
0x52: {  	v28 =	vor.u32 v19, v17  }
0x53: {  	v17 =	vshll.u32 v18, $0x4;
	v18 =	vor.u32 $0x2, v28  }
0x54: {  	v20 =	vor.u32 $0x1, v28  }
0x55: {  	v34 =	vor.u32 $0x3, v28  }
0x56: {  	v17 =	vand.u32 $0x70, v17;
	v38 =	vor.u32 $0x4, v28  }
0x57: {  	v29 =	vor.u32 v19, v17;
	v30 =	vld.idx.msk [tilespmem:v28+s16+$0x0], $0xffff  }
0x58: {  	v17 =	vor.u32 $0x1, v29;
	v33 =	vld.idx.msk [tilespmem:v18+s16+$0x0], $0xffff  }
0x59: {  	v27 =	vperm.xlane v32, v0;
	v31 =	vor.u32 $0x2, v29;
	v35 =	vld.idx.msk [tilespmem:v20+s16+$0x0], $0xffff  }
0x5a: {  	v26 =	vperm.xlane v32, v1;
	v25 =	vperm.xlane v32, v2;
	v41 =	vor.u32 $0x5, v28;
	v34 =	vld.idx.msk [tilespmem:v34+s16+$0x0], $0xffff  }
0x5b: {  	v24 =	vperm.xlane v32, v3;
	v22 =	vperm.xlane v32, v5;
	v36 =	vor.u32 $0x3, v29;
	v38 =	vld.idx.msk [tilespmem:v38+s16+$0x0], $0xffff  }
0x5c: {  	v21 =	vperm.xlane v32, v6;
	v23 =	vperm.xlane v32, v4;
	v40 =	vor.u32 $0x4, v29;
	v37 =	vld.idx.msk [tilespmem:v29+s14+$0x0], $0xffff  }
0x5d: {  	v43 =	vor.u32 $0x6, v28;
	v44 =	vor.u32 $0xE, v28;
	v42 =	vor.u32 $0x5, v29;
	v39 =	vld.idx.msk [tilespmem:v17+s14+$0x0], $0xffff  }
0x5e: {  	v45 =	vor.u32 $0xF, v28;
	v47 =	vor.u32 $0xC, v28;
	v48 =	vor.u32 $0xD, v28;
	v31 =	vld.idx.msk [tilespmem:v31+s14+$0x0], $0xffff  }
0x5f: {  	v58 =	vor.u32 $0x7, v28;
	v49 =	vor.u32 $0xB, v28;
	v50 =	vor.u32 $0xA, v28;
	v41 =	vld.idx.msk [tilespmem:v41+s16+$0x0], $0xffff  }
0x60: {  	v61 =	vor.u32 $0x8, v28;
	v19 =	vperm.xlane v32, v8;
	v46 =	vor.u32 $0x6, v29;
	v36 =	vld.idx.msk [tilespmem:v36+s14+$0x0], $0xffff  }
0x61: {  	v28 =	vor.u32 $0x9, v28;
	v20 =	vperm.xlane v32, v7;
	v40 =	vld.idx.msk [tilespmem:v40+s14+$0x0], $0xffff;
	v30 =	vmul.f32 v30, v37  }
0x62: {  	v59 =	vor.u32 $0x7, v29;
	v18 =	vperm.xlane v32, v9;
	v60 =	vld.idx.msk [tilespmem:v42+s14+$0x0], $0xffff;
	v35 =	vmul.f32 v35, v39  }
0x63: {  	v51 =	vor.u32 $0x8, v29;
	v31 =	vmul.f32 v33, v31;
	v30 =	vmul.f32 v30, v27  }
0x64: {  	v53 =	vor.u32 $0x9, v29;
	v43 =	vld.idx.msk [tilespmem:v43+s16+$0x0], $0xffff;
	v17 =	vperm.xlane v32, v10;
	v35 =	vmul.f32 v35, v26  }
0x65: {  	v62 =	vld.idx.msk [tilespmem:v46+s14+$0x0], $0xffff;
	v34 =	vmul.f32 v34, v36;
	v31 =	vmul.f32 v31, v25;
	v52 =	vadd.f32 $0.0e+00, v30  }
0x66: {  	v55 =	vor.u32 $0xA, v29;
	v28 =	vld.idx.msk [tilespmem:v28+s16+$0x0], $0xffff;
	v30 =	vmul.f32 v30, v30;
	v63 =	vmul.f32 v35, v35  }
0x67: {  	v37 =	vld.idx.msk [tilespmem:v58+s16+$0x0], $0xffff;
	v38 =	vmul.f32 v38, v40;
	v33 =	vmul.f32 v41, v60;
	v35 =	vadd.f32 v35, v52  }
0x68: {  	v39 =	vld.idx.msk [tilespmem:v59+s14+$0x0], $0xffff;
	v34 =	vmul.f32 v34, v24;
	v54 =	vmul.f32 v31, v31;
	v30 =	vadd.f32 v63, v30  }
0x69: {  	v58 =	vor.u32 $0xB, v29;
	v60 =	vld.idx.msk [tilespmem:v53+s14+$0x0], $0xffff;
	v38 =	vmul.f32 v38, v23;
	v31 =	vadd.f32 v31, v35  }
0x6a: {  	v42 =	vld.idx.msk [tilespmem:v61+s16+$0x0], $0xffff;
	v33 =	vmul.f32 v33, v22;
	v57 =	vmul.f32 v34, v34;
	v30 =	vadd.f32 v54, v30  }
0x6b: {  	v56 =	vld.idx.msk [tilespmem:v51+s14+$0x0], $0xffff;
	v59 =	vmul.f32 v43, v62;
	v62 =	vor.u32 $0xC, v29;
	v31 =	vadd.f32 v34, v31  }
0x6c: {  	v53 =	vld.idx.msk [tilespmem:v49+s16+$0x0], $0xffff;
	v61 =	vmul.f32 v38, v38;
	v51 =	vmul.f32 v33, v33;
	v30 =	vadd.f32 v57, v30  }
0x6d: {  	v37 =	vmul.f32 v37, v39;
	v52 =	vor.u32 $0xD, v29;
	v63 =	vld.idx.msk [tilespmem:v55+s14+$0x0], $0xffff;
	v31 =	vadd.f32 v38, v31  }
0x6e: {  	v28 =	vmul.f32 v28, v60;
	v55 =	vld.idx.msk [tilespmem:v58+s14+$0x0], $0xffff;
	v34 =	vmul.f32 v59, v21;
	v30 =	vadd.f32 v61, v30  }
0x6f: {  	v50 =	vld.idx.msk [tilespmem:v50+s16+$0x0], $0xffff;
	v37 =	vmul.f32 v37, v20;
	v57 =	vor.u32 $0xE, v29;
	v31 =	vadd.f32 v33, v31  }
0x70: {  	v54 =	vmul.f32 v42, v56;
	v56 =	vmul.f32 v34, v34;
	v30 =	vadd.f32 v51, v30  }
0x71: {  	v58 =	vld.idx.msk [tilespmem:v47+s16+$0x0], $0xffff;
	v49 =	vmul.f32 v28, v18;
	v28 =	vperm.xlane v32, v11;
	v31 =	vadd.f32 v34, v31  }
0x72: {  	v59 =	vld.idx.msk [tilespmem:v62+s14+$0x0], $0xffff;
	v60 =	vmul.f32 v37, v37;
	v33 =	vmul.f32 v54, v19;
	v30 =	vadd.f32 v56, v30  }
0x73: {  	v62 =	vld.idx.msk [tilespmem:v48+s16+$0x0], $0xffff;
	v35 =	vmul.f32 v53, v55;
	v61 =	vor.u32 $0xF, v29;
	v29 =	vadd.f32 v37, v31  }
0x74: {  	v48 =	vmul.f32 v33, v33;
	v41 =	vld.idx.msk [tilespmem:v57+s14+$0x0], $0xffff;
	v31 =	vmul.f32 v50, v63;
	v30 =	vadd.f32 v60, v30  }
0x75: {  	v35 =	vmul.f32 v35, v28;
	v63 =	vld.idx.msk [tilespmem:v52+s14+$0x0], $0xffff;
	v33 =	vadd.f32 v33, v29  }
0x76: {  	v51 =	vmul.f32 v49, v49;
	v50 =	vld.idx.msk [tilespmem:v44+s16+$0x0], $0xffff;
	v31 =	vmul.f32 v31, v17;
	v30 =	vadd.f32 v48, v30  }
0x77: {  	v34 =	vmul.f32 v58, v59;
	v52 =	vld.idx.msk [tilespmem:v45+s16+$0x0], $0xffff;
	v29 =	vperm.xlane v32, v12;
	v33 =	vadd.f32 v49, v33  }
0x78: {  	v53 =	vld.idx.msk [tilespmem:v61+s14+$0x0], $0xffff;
	v54 =	vmul.f32 v31, v31;
	v36 =	vadd.f32 v51, v30  }
0x79: {  	v55 =	vmul.f32 v35, v35;
	v34 =	vmul.f32 v34, v29;
	v33 =	vadd.f32 v31, v33  }
0x7a: {  	v30 =	vperm.xlane v32, v13;
	v37 =	vmul.f32 v62, v63;
	v36 =	vadd.f32 v54, v36  }
0x7b: {  	v56 =	vmul.f32 v50, v41;
	v31 =	vperm.xlane v32, v14;
	v33 =	vadd.f32 v35, v33  }
0x7c: {  	v57 =	vmul.f32 v34, v34;
	v37 =	vmul.f32 v37, v30;
	v36 =	vadd.f32 v55, v36  }
0x7d: {  	v58 =	vmul.f32 v52, v53;
	v32 =	vperm.xlane v32, v15;
	v33 =	vadd.f32 v34, v33  }
0x7e: {  	v35 =	vmul.f32 v56, v31;
	v59 =	vmul.f32 v37, v37;
	v36 =	vadd.f32 v57, v36  }
0x7f: {  	v33 =	vadd.f32 v37, v33  }
0x80: {  	v60 =	vmul.f32 v35, v35;
	v34 =	vmul.f32 v58, v32;
	v36 =	vadd.f32 v59, v36  }
0x81: {  	v33 =	vadd.f32 v35, v33  }
0x82: {  	v62 =	vmul.f32 v34, v34;
	v61 =	vadd.f32 v60, v36  }
0x83: {  	v33 =	vadd.f32 v34, v33  }
0x84: {  	v63 =	vadd.f32 v62, v61  }
0x85: {  	[tilespmem:s18+$0x0] =	vst v33  }
0x86: {  	s23 =	simm.s32 $0x210;
	[tilespmem:s19+$0x0] =	vst v63  }
0x87: {  	v34 =	vld [tilespmem:s23+$0x0];
	_ =	sdelay $0x1  }
0x88: {  	s24 =	simm.s32 $0x10;
	s25 =	simm.s32 $0x20  }
0x89: {  	s22 =	simm.s32 $0x10680;
	s26 =	simm.s32 $0x10;
	s21 =	simm.s32 $0x10880;
	v33 =	vld [tilespmem:s24+$0x0]  }
.LBB2_2:
0x8a: {  	p0 =	sne.s32 s25, $0xF0;
	v35 =	vmov s24;
	s24 =	smov.u32 s25  }
0x8b: {  	v35 =	vshll.u32 v35, $0x7;
	v34 =	vshll.u32 v34, $0x4  }
0x8c: {  	v34 =	vand.u32 $0x70, v34;
	v35 =	vor.u32 v16, v35  }
0x8d: {  	v34 =	vor.u32 v35, v34  }
0x8e: {  	v33 =	vshll.u32 v33, $0x4;
	v36 =	vor.u32 $0x2, v34  }
0x8f: {  	v37 =	vor.u32 $0x1, v34;
	v33 =	vand.u32 $0x70, v33  }
0x90: {  	v33 =	vor.u32 v35, v33  }
0x91: {  	v35 =	vor.u32 $0x1, v33  }
0x92: {  	v39 =	vor.u32 $0x2, v33;
	v38 =	vld.idx.msk [tilespmem:v34+s16+$0x0], $0xffff  }
0x93: {  	v40 =	vor.u32 $0x3, v34;
	v36 =	vld.idx.msk [tilespmem:v36+s16+$0x0], $0xffff  }
0x94: {  	v41 =	vor.u32 $0x3, v33;
	v37 =	vld.idx.msk [tilespmem:v37+s16+$0x0], $0xffff  }
0x95: {  	v43 =	vor.u32 $0x4, v34;
	v42 =	vld.idx.msk [tilespmem:v33+s14+$0x0], $0xffff  }
0x96: {  	v44 =	vor.u32 $0x4, v33;
	v35 =	vld.idx.msk [tilespmem:v35+s14+$0x0], $0xffff  }
0x97: {  	v45 =	vor.u32 $0x5, v34;
	v39 =	vld.idx.msk [tilespmem:v39+s14+$0x0], $0xffff  }
0x98: {  	v46 =	vor.u32 $0x5, v33;
	v40 =	vld.idx.msk [tilespmem:v40+s16+$0x0], $0xffff  }
0x99: {  	v47 =	vor.u32 $0x6, v34;
	v48 =	vor.u32 $0xE, v34;
	v49 =	vor.u32 $0xF, v34;
	v41 =	vld.idx.msk [tilespmem:v41+s14+$0x0], $0xffff  }
0x9a: {  	v51 =	vor.u32 $0xC, v34;
	v52 =	vor.u32 $0xD, v34;
	v50 =	vor.u32 $0x6, v33;
	v43 =	vld.idx.msk [tilespmem:v43+s16+$0x0], $0xffff  }
0x9b: {  	v53 =	vor.u32 $0xB, v34;
	v38 =	vmul.f32 v38, v42;
	v42 =	vld.idx.msk [tilespmem:v44+s14+$0x0], $0xffff;
	v44 =	vor.u32 $0x7, v34  }
0x9c: {  	v54 =	vor.u32 $0xA, v34;
	v35 =	vmul.f32 v37, v35;
	v37 =	vld.idx.msk [tilespmem:v45+s16+$0x0], $0xffff;
	v45 =	vor.u32 $0x7, v33  }
0x9d: {  	v38 =	vmul.f32 v38, v27;
	v36 =	vmul.f32 v36, v39;
	v39 =	vld.idx.msk [tilespmem:v46+s14+$0x0], $0xffff;
	v46 =	vor.u32 $0x8, v34  }
0x9e: {  	v55 =	vor.u32 $0x8, v33;
	v35 =	vmul.f32 v35, v26;
	v34 =	vor.u32 $0x9, v34;
	v47 =	vld.idx.msk [tilespmem:v47+s16+$0x0], $0xffff  }
0x9f: {  	v56 =	vadd.f32 $0.0e+00, v38;
	v36 =	vmul.f32 v36, v25;
	v40 =	vmul.f32 v40, v41;
	v41 =	vld.idx.msk [tilespmem:v50+s14+$0x0], $0xffff  }
0xa0: {  	v57 =	vor.u32 $0x9, v33;
	v38 =	vmul.f32 v38, v38;
	v50 =	vmul.f32 v35, v35;
	v44 =	vld.idx.msk [tilespmem:v44+s16+$0x0], $0xffff  }
0xa1: {  	v35 =	vadd.f32 v35, v56;
	v42 =	vmul.f32 v43, v42;
	v43 =	vld.idx.msk [tilespmem:v45+s14+$0x0], $0xffff;
	v45 =	vor.u32 $0xA, v33  }
0xa2: {  	v40 =	vmul.f32 v40, v24;
	v38 =	vadd.f32 v50, v38;
	v50 =	vmul.f32 v36, v36;
	v46 =	vld.idx.msk [tilespmem:v46+s16+$0x0], $0xffff  }
0xa3: {  	v35 =	vadd.f32 v36, v35;
	v36 =	vmul.f32 v37, v39;
	v39 =	vor.u32 $0xB, v33;
	v37 =	vld.idx.msk [tilespmem:v55+s14+$0x0], $0xffff  }
0xa4: {  	v42 =	vmul.f32 v42, v23;
	v38 =	vadd.f32 v50, v38;
	v50 =	vmul.f32 v40, v40;
	v34 =	vld.idx.msk [tilespmem:v34+s16+$0x0], $0xffff  }
0xa5: {  	v35 =	vadd.f32 v40, v35;
	v40 =	vmul.f32 v47, v41;
	v47 =	vor.u32 $0xC, v33;
	v41 =	vld.idx.msk [tilespmem:v57+s14+$0x0], $0xffff  }
0xa6: {  	v36 =	vmul.f32 v36, v22;
	v38 =	vadd.f32 v50, v38;
	v50 =	vmul.f32 v42, v42;
	v54 =	vld.idx.msk [tilespmem:v54+s16+$0x0], $0xffff  }
0xa7: {  	v35 =	vadd.f32 v42, v35;
	v42 =	vmul.f32 v44, v43;
	v44 =	vor.u32 $0xD, v33;
	v43 =	vld.idx.msk [tilespmem:v45+s14+$0x0], $0xffff  }
0xa8: {  	v40 =	vmul.f32 v40, v21;
	v38 =	vadd.f32 v50, v38;
	v45 =	vmul.f32 v36, v36;
	v50 =	vld.idx.msk [tilespmem:v53+s16+$0x0], $0xffff  }
0xa9: {  	v35 =	vadd.f32 v36, v35;
	v36 =	vmul.f32 v46, v37;
	v37 =	vld.idx.msk [tilespmem:v39+s14+$0x0], $0xffff;
	v39 =	vor.u32 $0xE, v33  }
0xaa: {  	v42 =	vmul.f32 v42, v20;
	v38 =	vadd.f32 v45, v38;
	v45 =	vmul.f32 v40, v40;
	v46 =	vld.idx.msk [tilespmem:v51+s16+$0x0], $0xffff  }
0xab: {  	v33 =	vor.u32 $0xF, v33;
	v35 =	vadd.f32 v40, v35;
	v34 =	vmul.f32 v34, v41;
	v40 =	vld.idx.msk [tilespmem:v47+s14+$0x0], $0xffff  }
0xac: {  	v41 =	vmul.f32 v42, v42;
	v36 =	vmul.f32 v36, v19;
	v38 =	vadd.f32 v45, v38;
	v45 =	vld.idx.msk [tilespmem:v52+s16+$0x0], $0xffff  }
0xad: {  	v35 =	vadd.f32 v42, v35;
	v42 =	vmul.f32 v54, v43;
	v43 =	vld.idx.msk [tilespmem:v44+s14+$0x0], $0xffff  }
0xae: {  	v34 =	vmul.f32 v34, v18;
	v38 =	vadd.f32 v41, v38;
	v41 =	vmul.f32 v36, v36;
	v44 =	vld.idx.msk [tilespmem:v48+s16+$0x0], $0xffff  }
0xaf: {  	v35 =	vadd.f32 v36, v35;
	v36 =	vmul.f32 v50, v37;
	v37 =	vld.idx.msk [tilespmem:v39+s14+$0x0], $0xffff  }
0xb0: {  	v38 =	vadd.f32 v41, v38;
	v39 =	vmul.f32 v34, v34;
	v41 =	vmul.f32 v42, v17;
	v42 =	vld.idx.msk [tilespmem:v49+s16+$0x0], $0xffff  }
0xb1: {  	v34 =	vadd.f32 v34, v35;
	v35 =	vmul.f32 v46, v40;
	v33 =	vld.idx.msk [tilespmem:v33+s14+$0x0], $0xffff  }
0xb2: {  	v36 =	vmul.f32 v36, v28;
	v38 =	vadd.f32 v39, v38;
	v39 =	vmul.f32 v41, v41  }
0xb3: {  	v34 =	vadd.f32 v41, v34;
	v40 =	vmul.f32 v45, v43  }
0xb4: {  	v35 =	vmul.f32 v35, v29;
	v38 =	vadd.f32 v39, v38;
	v39 =	vmul.f32 v36, v36  }
0xb5: {  	v34 =	vadd.f32 v36, v34;
	v36 =	vmul.f32 v44, v37  }
0xb6: {  	v37 =	vadd.f32 v39, v38;
	v38 =	vmul.f32 v35, v35;
	v39 =	vmul.f32 v40, v30  }
0xb7: {  	v34 =	vadd.f32 v35, v34;
	v33 =	vmul.f32 v42, v33  }
0xb8: {  	v36 =	vmul.f32 v36, v31;
	v35 =	vadd.f32 v38, v37;
	v37 =	vmul.f32 v39, v39  }
0xb9: {  	v34 =	vadd.f32 v39, v34  }
0xba: {  	v33 =	vmul.f32 v33, v32;
	v35 =	vadd.f32 v37, v35;
	v37 =	vmul.f32 v36, v36  }
0xbb: {  	v34 =	vadd.f32 v36, v34  }
0xbc: {  	v36 =	vmul.f32 v33, v33;
	v35 =	vadd.f32 v37, v35  }
0xbd: {  	v33 =	vadd.f32 v33, v34  }
0xbe: {  	s22 =	sadd.s32 $0x10, s22;
	v34 =	vadd.f32 v36, v35  }
0xbf: {  	s21 =	sadd.s32 $0x10, s21;
	[tilespmem:s22+$0x0] =	vst v33  }
.Ltmp0:
0xc0: {  	s23 =	sadd.s32 $0x10, s23;
	[tilespmem:s21+$0x0] =	vst v34;
	(pc) =	sbr.rel @p0 .LBB2_2-.Ltmp0, $3  }
0xc1: {  	v34 =	vld [tilespmem:s23+$0x0];
	_ =	sdelay $0x1  }
0xc2: {  	s26 =	sadd.s32 $0x10, s26  }
0xc3: {  	s25 =	sadd.s32 $0x10, s25;
	v33 =	vld [tilespmem:s26+$0x0]  }
0xc4: {  	v35 =	vmov s24  }
0xc5: {  	v35 =	vshll.u32 v35, $0x7;
	v34 =	vshll.u32 v34, $0x4  }
0xc6: {  	v34 =	vand.u32 $0x70, v34;
	v35 =	vor.u32 v16, v35  }
0xc7: {  	v34 =	vor.u32 v35, v34  }
0xc8: {  	v33 =	vshll.u32 v33, $0x4;
	v36 =	vor.u32 $0x2, v34  }
0xc9: {  	v37 =	vor.u32 $0x1, v34;
	v33 =	vand.u32 $0x70, v33  }
0xca: {  	v33 =	vor.u32 v35, v33  }
0xcb: {  	v35 =	vor.u32 $0x1, v33  }
0xcc: {  	v39 =	vor.u32 $0x2, v33;
	v38 =	vld.idx.msk [tilespmem:v34+s16+$0x0], $0xffff  }
0xcd: {  	v40 =	vor.u32 $0x3, v34;
	v36 =	vld.idx.msk [tilespmem:v36+s16+$0x0], $0xffff  }
0xce: {  	v41 =	vor.u32 $0x3, v33;
	v37 =	vld.idx.msk [tilespmem:v37+s16+$0x0], $0xffff  }
0xcf: {  	v43 =	vor.u32 $0x4, v34;
	v42 =	vld.idx.msk [tilespmem:v33+s14+$0x0], $0xffff  }
0xd0: {  	v44 =	vor.u32 $0x4, v33;
	v35 =	vld.idx.msk [tilespmem:v35+s14+$0x0], $0xffff  }
0xd1: {  	v45 =	vor.u32 $0x5, v34;
	v47 =	vor.u32 $0x6, v34;
	v39 =	vld.idx.msk [tilespmem:v39+s14+$0x0], $0xffff  }
0xd2: {  	v48 =	vor.u32 $0xE, v34;
	v49 =	vor.u32 $0xF, v34;
	v46 =	vor.u32 $0x5, v33;
	v40 =	vld.idx.msk [tilespmem:v40+s16+$0x0], $0xffff  }
0xd3: {  	v51 =	vor.u32 $0xC, v34;
	v52 =	vor.u32 $0xD, v34;
	v53 =	vor.u32 $0xB, v34;
	v41 =	vld.idx.msk [tilespmem:v41+s14+$0x0], $0xffff  }
0xd4: {  	v54 =	vor.u32 $0xA, v34;
	v50 =	vor.u32 $0x6, v33;
	v43 =	vld.idx.msk [tilespmem:v43+s16+$0x0], $0xffff;
	v38 =	vmul.f32 v38, v42  }
0xd5: {  	v61 =	vor.u32 $0x8, v34;
	v55 =	vor.u32 $0x8, v33;
	v44 =	vld.idx.msk [tilespmem:v44+s14+$0x0], $0xffff;
	v35 =	vmul.f32 v37, v35  }
0xd6: {  	v45 =	vld.idx.msk [tilespmem:v45+s16+$0x0], $0xffff;
	v42 =	vor.u32 $0x7, v34;
	v36 =	vmul.f32 v36, v39;
	v38 =	vmul.f32 v38, v27  }
0xd7: {  	v57 =	vor.u32 $0x9, v33;
	v60 =	vld.idx.msk [tilespmem:v46+s14+$0x0], $0xffff;
	v37 =	vor.u32 $0x7, v33;
	v35 =	vmul.f32 v35, v26  }
0xd8: {  	v47 =	vld.idx.msk [tilespmem:v47+s16+$0x0], $0xffff;
	v40 =	vmul.f32 v40, v41;
	v36 =	vmul.f32 v36, v25;
	v56 =	vadd.f32 $0.0e+00, v38  }
0xd9: {  	v58 =	vor.u32 $0xA, v33;
	v62 =	vld.idx.msk [tilespmem:v50+s14+$0x0], $0xffff;
	v38 =	vmul.f32 v38, v38;
	v63 =	vmul.f32 v35, v35  }
0xda: {  	v46 =	vld.idx.msk [tilespmem:v61+s16+$0x0], $0xffff;
	v34 =	vor.u32 $0x9, v34;
	v43 =	vmul.f32 v43, v44;
	v35 =	vadd.f32 v35, v56  }
0xdb: {  	v40 =	vmul.f32 v40, v24;
	v42 =	vld.idx.msk [tilespmem:v42+s16+$0x0], $0xffff;
	v56 =	vmul.f32 v36, v36;
	v38 =	vadd.f32 v63, v38  }
0xdc: {  	v59 =	vmul.f32 v45, v60;
	v37 =	vld.idx.msk [tilespmem:v37+s14+$0x0], $0xffff;
	v35 =	vadd.f32 v36, v35  }
0xdd: {  	v39 =	vld.idx.msk [tilespmem:v55+s14+$0x0], $0xffff;
	v43 =	vmul.f32 v43, v23;
	v60 =	vmul.f32 v40, v40;
	v38 =	vadd.f32 v56, v38  }
0xde: {  	v61 =	vor.u32 $0xB, v33;
	v41 =	vld.idx.msk [tilespmem:v57+s14+$0x0], $0xffff;
	v36 =	vmul.f32 v59, v22;
	v35 =	vadd.f32 v40, v35  }
0xdf: {  	v62 =	vmul.f32 v47, v62;
	v34 =	vld.idx.msk [tilespmem:v34+s16+$0x0], $0xffff;
	v63 =	vmul.f32 v43, v43;
	v38 =	vadd.f32 v60, v38  }
0xe0: {  	v47 =	vor.u32 $0xC, v33;
	v57 =	vld.idx.msk [tilespmem:v58+s14+$0x0], $0xffff;
	v58 =	vmul.f32 v36, v36;
	v35 =	vadd.f32 v43, v35  }
0xe1: {  	v54 =	vld.idx.msk [tilespmem:v54+s16+$0x0], $0xffff;
	v40 =	vmul.f32 v62, v21;
	v37 =	vmul.f32 v42, v37;
	v38 =	vadd.f32 v63, v38  }
0xe2: {  	v50 =	vld.idx.msk [tilespmem:v53+s16+$0x0], $0xffff;
	v59 =	vor.u32 $0xD, v33;
	v60 =	vmul.f32 v46, v39;
	v35 =	vadd.f32 v36, v35  }
0xe3: {  	v61 =	vld.idx.msk [tilespmem:v61+s14+$0x0], $0xffff;
	v62 =	vmul.f32 v40, v40;
	v37 =	vmul.f32 v37, v20;
	v38 =	vadd.f32 v58, v38  }
0xe4: {  	v34 =	vmul.f32 v34, v41;
	v46 =	vld.idx.msk [tilespmem:v51+s16+$0x0], $0xffff;
	v63 =	vor.u32 $0xE, v33;
	v35 =	vadd.f32 v40, v35  }
0xe5: {  	v51 =	vld.idx.msk [tilespmem:v47+s14+$0x0], $0xffff;
	v36 =	vmul.f32 v60, v19;
	v53 =	vmul.f32 v37, v37;
	v38 =	vadd.f32 v62, v38  }
0xe6: {  	v55 =	vld.idx.msk [tilespmem:v52+s16+$0x0], $0xffff;
	v56 =	vmul.f32 v54, v57;
	v33 =	vor.u32 $0xF, v33;
	v35 =	vadd.f32 v37, v35  }
0xe7: {  	v34 =	vmul.f32 v34, v18;
	v57 =	vld.idx.msk [tilespmem:v59+s14+$0x0], $0xffff;
	v58 =	vmul.f32 v36, v36;
	v38 =	vadd.f32 v53, v38  }
0xe8: {  	v59 =	vld.idx.msk [tilespmem:v48+s16+$0x0], $0xffff;
	v60 =	vmul.f32 v50, v61;
	v35 =	vadd.f32 v36, v35  }
0xe9: {  	v62 =	vmul.f32 v34, v34;
	v61 =	vld.idx.msk [tilespmem:v63+s14+$0x0], $0xffff;
	v37 =	vmul.f32 v56, v17;
	v38 =	vadd.f32 v58, v38  }
0xea: {  	v48 =	vmul.f32 v46, v51;
	v63 =	vld.idx.msk [tilespmem:v49+s16+$0x0], $0xffff;
	v34 =	vadd.f32 v34, v35  }
0xeb: {  	v33 =	vld.idx.msk [tilespmem:v33+s14+$0x0], $0xffff;
	v49 =	vmul.f32 v37, v37;
	v36 =	vmul.f32 v60, v28;
	v38 =	vadd.f32 v62, v38  }
0xec: {  	v50 =	vmul.f32 v55, v57;
	v34 =	vadd.f32 v37, v34  }
0xed: {  	v51 =	vmul.f32 v36, v36;
	v35 =	vmul.f32 v48, v29;
	v38 =	vadd.f32 v49, v38  }
0xee: {  	v52 =	vmul.f32 v59, v61;
	v34 =	vadd.f32 v36, v34  }
0xef: {  	v53 =	vmul.f32 v35, v35;
	v37 =	vmul.f32 v50, v30;
	v38 =	vadd.f32 v51, v38  }
0xf0: {  	v33 =	vmul.f32 v63, v33;
	v34 =	vadd.f32 v35, v34  }
0xf1: {  	v55 =	vmul.f32 v37, v37;
	v36 =	vmul.f32 v52, v31;
	v54 =	vadd.f32 v53, v38  }
0xf2: {  	v34 =	vadd.f32 v37, v34  }
0xf3: {  	v33 =	vmul.f32 v33, v32;
	v56 =	vmul.f32 v36, v36;
	v35 =	vadd.f32 v55, v54  }
0xf4: {  	v34 =	vadd.f32 v36, v34  }
0xf5: {  	v57 =	vmul.f32 v33, v33;
	v35 =	vadd.f32 v56, v35  }
0xf6: {  	v33 =	vadd.f32 v33, v34  }
0xf7: {  	s22 =	sadd.s32 $0x10, s22;
	v58 =	vadd.f32 v57, v35  }
0xf8: {  	s21 =	sadd.s32 $0x10, s21;
	[tilespmem:s22+$0x0] =	vst v33  }
0xf9: {  	[tilespmem:s21+$0x0] =	vst v58  }
0xfa: {  	v33 =	vld [tilespmem:$0x100]  }
0xfb: {  	v34 =	vld [tilespmem:$0x300]  }
0xfc: {  	v59 =	vld [tilespmem:$0x110]  }
0xfd: {  	v60 =	vld [tilespmem:$0x310]  }
0xfe: {  	v61 =	vld [tilespmem:$0x120]  }
0xff: {  	v63 =	vld [tilespmem:$0x130]  }
0x100: {  	v44 =	vld [tilespmem:$0x140]  }
0x101: {  	v46 =	vld [tilespmem:$0x340]  }
0x102: {  	v49 =	vld [tilespmem:$0x150];
	v33 =	vshrl.u32 v33, $0x3  }
0x103: {  	v57 =	vld [tilespmem:$0x170];
	v42 =	vshrl.u32 v59, $0x3;
	[tilespmem:$0x400] =	vst v33  }
0x104: {  	v47 =	vshrl.u32 v61, $0x3;
	[tilespmem:$0x410] =	vst v42  }
0x105: {  	v62 =	vld [tilespmem:$0x320];
	v52 =	vshrl.u32 v63, $0x3;
	[tilespmem:$0x420] =	vst v47  }
0x106: {  	v56 =	vshrl.u32 v44, $0x3;
	[tilespmem:$0x430] =	vst v52  }
0x107: {  	v51 =	vld [tilespmem:$0x350];
	v43 =	vshrl.u32 v60, $0x3;
	v60 =	vshrl.u32 v49, $0x3;
	[tilespmem:$0x440] =	vst v56  }
0x108: {  	v41 =	vld [tilespmem:$0x330];
	v34 =	vshrl.u32 v34, $0x3;
	v35 =	vshrl.u32 v46, $0x3;
	v46 =	vshrl.u32 v57, $0x3;
	[tilespmem:$0x450] =	vst v60  }
0x109: {  	v53 =	vld [tilespmem:$0x160];
	v40 =	vadd.s32 $0xF424, v34;
	[tilespmem:$0x470] =	vst v46  }
0x10a: {  	v55 =	vld [tilespmem:$0x360];
	v48 =	vshrl.u32 v62, $0x3;
	v45 =	vadd.s32 $0xF424, v43;
	[tilespmem:$0x500] =	vst v40  }
0x10b: {  	v59 =	vld [tilespmem:$0x370];
	v50 =	vadd.s32 $0xF424, v48;
	[tilespmem:$0x510] =	vst v45  }
0x10c: {  	v37 =	vshrl.u32 v51, $0x3;
	v61 =	vld [tilespmem:$0x180];
	v58 =	vadd.s32 $0xF424, v35;
	[tilespmem:$0x520] =	vst v50  }
0x10d: {  	v51 =	vld [tilespmem:$0x1B0];
	v62 =	vadd.s32 $0xF424, v37;
	[tilespmem:$0x540] =	vst v58  }
0x10e: {  	v63 =	vld [tilespmem:$0x380];
	v34 =	vshrl.u32 v41, $0x3;
	v42 =	vshrl.u32 v53, $0x3;
	[tilespmem:$0x550] =	vst v62  }
0x10f: {  	v49 =	vld [tilespmem:$0x3A0];
	v54 =	vadd.s32 $0xF424, v34;
	v34 =	vshrl.u32 v55, $0x3;
	[tilespmem:$0x460] =	vst v42  }
0x110: {  	v43 =	vld [tilespmem:$0x190];
	[tilespmem:$0x530] =	vst v54;
	v44 =	vadd.s32 $0xF424, v34  }
0x111: {  	v47 =	vld [tilespmem:$0x1A0];
	[tilespmem:$0x560] =	vst v44;
	v50 =	vshrl.u32 v61, $0x3  }
0x112: {  	v53 =	vld [tilespmem:$0x3B0];
	v35 =	vshrl.u32 v59, $0x3;
	v62 =	vshrl.u32 v51, $0x3;
	[tilespmem:$0x480] =	vst v50  }
0x113: {  	v45 =	vld [tilespmem:$0x390];
	v37 =	vshrl.u32 v63, $0x3;
	v48 =	vadd.s32 $0xF424, v35;
	[tilespmem:$0x4B0] =	vst v62  }
0x114: {  	v55 =	vld [tilespmem:$0x1C0];
	v52 =	vadd.s32 $0xF424, v37;
	[tilespmem:$0x570] =	vst v48  }
0x115: {  	v57 =	vld [tilespmem:$0x3C0];
	v54 =	vshrl.u32 v43, $0x3;
	[tilespmem:$0x580] =	vst v52  }
0x116: {  	v59 =	vld [tilespmem:$0x1D0];
	v58 =	vshrl.u32 v47, $0x3;
	v35 =	vshrl.u32 v49, $0x3;
	[tilespmem:$0x490] =	vst v54  }
0x117: {  	v61 =	vld [tilespmem:$0x3D0];
	v37 =	vshrl.u32 v53, $0x3;
	[tilespmem:$0x4A0] =	vst v58;
	v60 =	vadd.s32 $0xF424, v35  }
0x118: {  	v63 =	vld [tilespmem:$0x1E0];
	v42 =	vadd.s32 $0xF424, v37;
	[tilespmem:$0x5A0] =	vst v60  }
0x119: {  	v43 =	vld [tilespmem:$0x3E0];
	v34 =	vshrl.u32 v45, $0x3;
	v44 =	vshrl.u32 v55, $0x3;
	[tilespmem:$0x5B0] =	vst v42  }
0x11a: {  	v47 =	vld [tilespmem:$0x3F0];
	v56 =	vadd.s32 $0xF424, v34;
	v34 =	vshrl.u32 v57, $0x3;
	[tilespmem:$0x4C0] =	vst v44  }
0x11b: {  	v45 =	vld [tilespmem:$0x1F0];
	[tilespmem:$0x590] =	vst v56;
	v46 =	vadd.s32 $0xF424, v34  }
0x11c: {  	[tilespmem:$0x5C0] =	vst v46;
	v48 =	vshrl.u32 v59, $0x3  }
0x11d: {  	v35 =	vshrl.u32 v61, $0x3;
	v50 =	vshrl.u32 v63, $0x3;
	[tilespmem:$0x4D0] =	vst v48  }
0x11e: {  	v49 =	vadd.s32 $0xF424, v35;
	v51 =	vshrl.u32 v43, $0x3;
	[tilespmem:$0x4E0] =	vst v50  }
0x11f: {  	[tilespmem:$0x5D0] =	vst v49;
	v52 =	vadd.s32 $0xF424, v51  }
0x120: {  	v34 =	vshrl.u32 v47, $0x3;
	v53 =	vshrl.u32 v45, $0x3;
	[tilespmem:$0x5E0] =	vst v52  }
0x121: {  	v54 =	vadd.s32 $0xF424, v34;
	[tilespmem:$0x4F0] =	vst v53  }
0x122: {  	s29 =	simm.s32 $0x100;
	[tilespmem:$0x5F0] =	vst v54  }
0x123: {  	[tilespmem:s14], [sflag:$0x1] =	stream.indirect.gather [hbm4b:s3+s29], $0x80, s13, s29, $0xb8;
	[tilespmem:$0x10A80] =	vst v63  }
0x124: {  	_ = 	snop  }
0x125: {  	[tilespmem:s16], [sflag:$0x1] =	stream.indirect.gather [hbm4b:s3+s29], $0x80, s15, s29, $0xb8;
	[tilespmem:$0x10A80] =	vst v63  }
0x126: {  	_ =	swait.ge [sflag:s17], $0x8000  }
0x127: {  	[sflag:s17] =	ssyncset.done $0x0  }
0x128: {  	[sflag:s17] =	ssyncadd.s32 $0xFFFF8000  }
0x129: {  	_ =	swait.ge [sflag:s17], $0x8000  }
0x12a: {  	[sflag:s17] =	ssyncset.done $0x0  }
0x12b: {  	s30 =	simm.s32 $0x300;
	[sflag:s17] =	ssyncadd.s32 $0xFFFF8000  }
0x12c: {  	v55 =	vld [tilespmem:s30+$0x0]  }
0x12d: {  	v56 =	vld [tilespmem:s29+$0x0];
	_ =	sdelay $0x1  }
0x12e: {  	s31 =	simm.s32 $0x0  }
0x12f: {  	v57 =	vmov s31  }
0x130: {  	v35 =	vshll.u32 v57, $0x7;
	v33 =	vshll.u32 v55, $0x4  }
0x131: {  	v35 =	vor.u32 v16, v35;
	v34 =	vshll.u32 v56, $0x4;
	v33 =	vand.u32 $0x70, v33  }
0x132: {  	v34 =	vand.u32 $0x70, v34;
	v33 =	vor.u32 v35, v33  }
0x133: {  	v34 =	vor.u32 v35, v34  }
0x134: {  	v58 =	vor.u32 $0x2, v33  }
0x135: {  	v59 =	vor.u32 $0x1, v33  }
0x136: {  	v35 =	vor.u32 $0x1, v34  }
0x137: {  	v53 =	vor.u32 $0x2, v34;
	v60 =	vld.idx.msk [tilespmem:v33+s16+$0x0], $0xffff  }
0x138: {  	v54 =	vor.u32 $0x3, v33;
	v56 =	vld.idx.msk [tilespmem:v34+s14+$0x0], $0xffff  }
0x139: {  	v55 =	vor.u32 $0x3, v34;
	v36 =	vld.idx.msk [tilespmem:v58+s16+$0x0], $0xffff  }
0x13a: {  	v57 =	vor.u32 $0x4, v33;
	v37 =	vld.idx.msk [tilespmem:v59+s16+$0x0], $0xffff  }
0x13b: {  	v35 =	vld.idx.msk [tilespmem:v35+s14+$0x0], $0xffff;
	v58 =	vor.u32 $0x4, v34  }
0x13c: {  	v39 =	vld.idx.msk [tilespmem:v53+s14+$0x0], $0xffff;
	v59 =	vor.u32 $0x5, v33  }
0x13d: {  	v61 =	vor.u32 $0x5, v34;
	v62 =	vor.u32 $0x6, v33;
	v48 =	vor.u32 $0xE, v33;
	v40 =	vld.idx.msk [tilespmem:v54+s16+$0x0], $0xffff  }
0x13e: {  	v49 =	vor.u32 $0xF, v33;
	v63 =	vor.u32 $0x6, v34;
	v51 =	vor.u32 $0xC, v33;
	v41 =	vld.idx.msk [tilespmem:v55+s14+$0x0], $0xffff  }
0x13f: {  	v52 =	vor.u32 $0xD, v33;
	v42 =	vor.u32 $0x7, v33;
	v43 =	vld.idx.msk [tilespmem:v57+s16+$0x0], $0xffff;
	v38 =	vmul.f32 v60, v56  }
0x140: {  	v53 =	vor.u32 $0xB, v33;
	v54 =	vor.u32 $0xA, v33;
	v44 =	vld.idx.msk [tilespmem:v58+s14+$0x0], $0xffff;
	v35 =	vmul.f32 v37, v35  }
0x141: {  	v60 =	vor.u32 $0x7, v34;
	v45 =	vld.idx.msk [tilespmem:v59+s16+$0x0], $0xffff;
	v36 =	vmul.f32 v36, v39;
	v38 =	vmul.f32 v38, v27  }
0x142: {  	v55 =	vor.u32 $0x8, v34;
	v39 =	vld.idx.msk [tilespmem:v61+s14+$0x0], $0xffff;
	v61 =	vor.u32 $0x8, v33;
	v35 =	vmul.f32 v35, v26  }
0x143: {  	v47 =	vld.idx.msk [tilespmem:v62+s16+$0x0], $0xffff;
	v40 =	vmul.f32 v40, v41;
	v36 =	vmul.f32 v36, v25;
	v62 =	vadd.f32 $0.0e+00, v38  }
0x144: {  	v57 =	vor.u32 $0x9, v34;
	v41 =	vld.idx.msk [tilespmem:v63+s14+$0x0], $0xffff;
	v38 =	vmul.f32 v38, v38;
	v63 =	vmul.f32 v35, v35  }
0x145: {  	v42 =	vld.idx.msk [tilespmem:v42+s16+$0x0], $0xffff;
	v33 =	vor.u32 $0x9, v33;
	v40 =	vmul.f32 v40, v24;
	v35 =	vadd.f32 v35, v62  }
0x146: {  	v37 =	vld.idx.msk [tilespmem:v60+s14+$0x0], $0xffff;
	v59 =	vmul.f32 v36, v36;
	v43 =	vmul.f32 v43, v44;
	v38 =	vadd.f32 v63, v38  }
0x147: {  	v60 =	vor.u32 $0xA, v34;
	v46 =	vld.idx.msk [tilespmem:v61+s16+$0x0], $0xffff;
	v61 =	vmul.f32 v45, v39;
	v35 =	vadd.f32 v36, v35  }
0x148: {  	v39 =	vld.idx.msk [tilespmem:v55+s14+$0x0], $0xffff;
	v62 =	vmul.f32 v40, v40;
	v43 =	vmul.f32 v43, v23;
	v38 =	vadd.f32 v59, v38  }
0x149: {  	v57 =	vld.idx.msk [tilespmem:v57+s14+$0x0], $0xffff;
	v45 =	vor.u32 $0xB, v34;
	v63 =	vmul.f32 v47, v41;
	v35 =	vadd.f32 v40, v35  }
0x14a: {  	v33 =	vld.idx.msk [tilespmem:v33+s16+$0x0], $0xffff;
	v36 =	vmul.f32 v61, v22;
	v58 =	vmul.f32 v43, v43;
	v38 =	vadd.f32 v62, v38  }
0x14b: {  	v56 =	vld.idx.msk [tilespmem:v51+s16+$0x0], $0xffff;
	v59 =	vor.u32 $0xC, v34;
	v37 =	vmul.f32 v42, v37;
	v35 =	vadd.f32 v43, v35  }
0x14c: {  	v54 =	vld.idx.msk [tilespmem:v54+s16+$0x0], $0xffff;
	v61 =	vmul.f32 v36, v36;
	v40 =	vmul.f32 v63, v21;
	v38 =	vadd.f32 v58, v38  }
0x14d: {  	v60 =	vld.idx.msk [tilespmem:v60+s14+$0x0], $0xffff;
	v62 =	vor.u32 $0xD, v34;
	v63 =	vmul.f32 v46, v39;
	v35 =	vadd.f32 v36, v35  }
0x14e: {  	v50 =	vld.idx.msk [tilespmem:v53+s16+$0x0], $0xffff;
	v53 =	vmul.f32 v40, v40;
	v37 =	vmul.f32 v37, v20;
	v38 =	vadd.f32 v61, v38  }
0x14f: {  	v55 =	vor.u32 $0xE, v34;
	v39 =	vld.idx.msk [tilespmem:v45+s14+$0x0], $0xffff;
	v33 =	vmul.f32 v33, v57;
	v35 =	vadd.f32 v40, v35  }
0x150: {  	v57 =	vld.idx.msk [tilespmem:v59+s14+$0x0], $0xffff;
	v58 =	vmul.f32 v37, v37;
	v36 =	vmul.f32 v63, v19;
	v38 =	vadd.f32 v53, v38  }
0x151: {  	v34 =	vor.u32 $0xF, v34;
	v33 =	vmul.f32 v33, v18;
	v59 =	vld.idx.msk [tilespmem:v52+s16+$0x0], $0xffff;
	v35 =	vadd.f32 v37, v35  }
0x152: {  	v60 =	vmul.f32 v54, v60;
	v61 =	vld.idx.msk [tilespmem:v62+s14+$0x0], $0xffff;
	v62 =	vmul.f32 v36, v36;
	v38 =	vadd.f32 v58, v38  }
0x153: {  	v63 =	vld.idx.msk [tilespmem:v48+s16+$0x0], $0xffff;
	v51 =	vmul.f32 v33, v33;
	v35 =	vadd.f32 v36, v35  }
0x154: {  	v48 =	vmul.f32 v50, v39;
	v50 =	vld.idx.msk [tilespmem:v55+s14+$0x0], $0xffff;
	v37 =	vmul.f32 v60, v17;
	v38 =	vadd.f32 v62, v38  }
0x155: {  	v52 =	vld.idx.msk [tilespmem:v49+s16+$0x0], $0xffff;
	v53 =	vmul.f32 v56, v57;
	v33 =	vadd.f32 v33, v35  }
0x156: {  	v34 =	vld.idx.msk [tilespmem:v34+s14+$0x0], $0xffff;
	v54 =	vmul.f32 v37, v37;
	v36 =	vmul.f32 v48, v28;
	v38 =	vadd.f32 v51, v38  }
0x157: {  	v55 =	vmul.f32 v59, v61;
	v33 =	vadd.f32 v37, v33  }
0x158: {  	v56 =	vmul.f32 v36, v36;
	v35 =	vmul.f32 v53, v29;
	v38 =	vadd.f32 v54, v38  }
0x159: {  	v57 =	vmul.f32 v63, v50;
	v33 =	vadd.f32 v36, v33  }
0x15a: {  	v58 =	vmul.f32 v35, v35;
	v37 =	vmul.f32 v55, v30;
	v38 =	vadd.f32 v56, v38  }
0x15b: {  	v34 =	vmul.f32 v52, v34;
	v33 =	vadd.f32 v35, v33  }
0x15c: {  	v60 =	vmul.f32 v37, v37;
	v36 =	vmul.f32 v57, v31;
	v59 =	vadd.f32 v58, v38  }
0x15d: {  	v33 =	vadd.f32 v37, v33  }
0x15e: {  	v34 =	vmul.f32 v34, v32;
	v61 =	vmul.f32 v36, v36;
	v35 =	vadd.f32 v60, v59  }
0x15f: {  	v33 =	vadd.f32 v36, v33  }
0x160: {  	v62 =	vmul.f32 v34, v34;
	v35 =	vadd.f32 v61, v35  }
0x161: {  	v33 =	vadd.f32 v34, v33  }
0x162: {  	s21 =	simm.s32 $0x10780;
	v63 =	vadd.f32 v62, v35  }
0x163: {  	s22 =	simm.s32 $0x10980;
	[tilespmem:s21+$0x0] =	vst v33  }
0x164: {  	s23 =	simm.s32 $0x310;
	[tilespmem:s22+$0x0] =	vst v63  }
0x165: {  	v34 =	vld [tilespmem:s23+$0x0];
	_ =	sdelay $0x1  }
0x166: {  	s24 =	simm.s32 $0x110  }
0x167: {  	s25 =	simm.s32 $0x10;
	s26 =	simm.s32 $0x20;
	v33 =	vld [tilespmem:s24+$0x0]  }
.LBB2_4:
0x168: {  	p0 =	sne.s32 s26, $0xF0;
	v35 =	vmov s25;
	s25 =	smov.u32 s26  }
0x169: {  	v35 =	vshll.u32 v35, $0x7;
	v34 =	vshll.u32 v34, $0x4  }
0x16a: {  	v34 =	vand.u32 $0x70, v34;
	v35 =	vor.u32 v16, v35  }
0x16b: {  	v34 =	vor.u32 v35, v34  }
0x16c: {  	v33 =	vshll.u32 v33, $0x4;
	v36 =	vor.u32 $0x2, v34  }
0x16d: {  	v37 =	vor.u32 $0x1, v34;
	v33 =	vand.u32 $0x70, v33  }
0x16e: {  	v33 =	vor.u32 v35, v33  }
0x16f: {  	v35 =	vor.u32 $0x1, v33  }
0x170: {  	v39 =	vor.u32 $0x2, v33;
	v38 =	vld.idx.msk [tilespmem:v34+s16+$0x0], $0xffff  }
0x171: {  	v40 =	vor.u32 $0x3, v34;
	v36 =	vld.idx.msk [tilespmem:v36+s16+$0x0], $0xffff  }
0x172: {  	v41 =	vor.u32 $0x3, v33;
	v37 =	vld.idx.msk [tilespmem:v37+s16+$0x0], $0xffff  }
0x173: {  	v43 =	vor.u32 $0x4, v34;
	v42 =	vld.idx.msk [tilespmem:v33+s14+$0x0], $0xffff  }
0x174: {  	v44 =	vor.u32 $0x4, v33;
	v35 =	vld.idx.msk [tilespmem:v35+s14+$0x0], $0xffff  }
0x175: {  	v45 =	vor.u32 $0x5, v34;
	v39 =	vld.idx.msk [tilespmem:v39+s14+$0x0], $0xffff  }
0x176: {  	v46 =	vor.u32 $0x5, v33;
	v40 =	vld.idx.msk [tilespmem:v40+s16+$0x0], $0xffff  }
0x177: {  	v47 =	vor.u32 $0x6, v34;
	v48 =	vor.u32 $0xE, v34;
	v49 =	vor.u32 $0xF, v34;
	v41 =	vld.idx.msk [tilespmem:v41+s14+$0x0], $0xffff  }
0x178: {  	v51 =	vor.u32 $0xC, v34;
	v52 =	vor.u32 $0xD, v34;
	v50 =	vor.u32 $0x6, v33;
	v43 =	vld.idx.msk [tilespmem:v43+s16+$0x0], $0xffff  }
0x179: {  	v53 =	vor.u32 $0xB, v34;
	v38 =	vmul.f32 v38, v42;
	v42 =	vld.idx.msk [tilespmem:v44+s14+$0x0], $0xffff;
	v44 =	vor.u32 $0x7, v34  }
0x17a: {  	v54 =	vor.u32 $0xA, v34;
	v35 =	vmul.f32 v37, v35;
	v37 =	vld.idx.msk [tilespmem:v45+s16+$0x0], $0xffff;
	v45 =	vor.u32 $0x7, v33  }
0x17b: {  	v38 =	vmul.f32 v38, v27;
	v36 =	vmul.f32 v36, v39;
	v39 =	vld.idx.msk [tilespmem:v46+s14+$0x0], $0xffff;
	v46 =	vor.u32 $0x8, v34  }
0x17c: {  	v55 =	vor.u32 $0x8, v33;
	v35 =	vmul.f32 v35, v26;
	v34 =	vor.u32 $0x9, v34;
	v47 =	vld.idx.msk [tilespmem:v47+s16+$0x0], $0xffff  }
0x17d: {  	v56 =	vadd.f32 $0.0e+00, v38;
	v36 =	vmul.f32 v36, v25;
	v40 =	vmul.f32 v40, v41;
	v41 =	vld.idx.msk [tilespmem:v50+s14+$0x0], $0xffff  }
0x17e: {  	v57 =	vor.u32 $0x9, v33;
	v38 =	vmul.f32 v38, v38;
	v50 =	vmul.f32 v35, v35;
	v44 =	vld.idx.msk [tilespmem:v44+s16+$0x0], $0xffff  }
0x17f: {  	v35 =	vadd.f32 v35, v56;
	v42 =	vmul.f32 v43, v42;
	v43 =	vld.idx.msk [tilespmem:v45+s14+$0x0], $0xffff;
	v45 =	vor.u32 $0xA, v33  }
0x180: {  	v40 =	vmul.f32 v40, v24;
	v38 =	vadd.f32 v50, v38;
	v50 =	vmul.f32 v36, v36;
	v46 =	vld.idx.msk [tilespmem:v46+s16+$0x0], $0xffff  }
0x181: {  	v35 =	vadd.f32 v36, v35;
	v36 =	vmul.f32 v37, v39;
	v39 =	vor.u32 $0xB, v33;
	v37 =	vld.idx.msk [tilespmem:v55+s14+$0x0], $0xffff  }
0x182: {  	v42 =	vmul.f32 v42, v23;
	v38 =	vadd.f32 v50, v38;
	v50 =	vmul.f32 v40, v40;
	v34 =	vld.idx.msk [tilespmem:v34+s16+$0x0], $0xffff  }
0x183: {  	v35 =	vadd.f32 v40, v35;
	v40 =	vmul.f32 v47, v41;
	v47 =	vor.u32 $0xC, v33;
	v41 =	vld.idx.msk [tilespmem:v57+s14+$0x0], $0xffff  }
0x184: {  	v36 =	vmul.f32 v36, v22;
	v38 =	vadd.f32 v50, v38;
	v50 =	vmul.f32 v42, v42;
	v54 =	vld.idx.msk [tilespmem:v54+s16+$0x0], $0xffff  }
0x185: {  	v35 =	vadd.f32 v42, v35;
	v42 =	vmul.f32 v44, v43;
	v44 =	vor.u32 $0xD, v33;
	v43 =	vld.idx.msk [tilespmem:v45+s14+$0x0], $0xffff  }
0x186: {  	v40 =	vmul.f32 v40, v21;
	v38 =	vadd.f32 v50, v38;
	v45 =	vmul.f32 v36, v36;
	v50 =	vld.idx.msk [tilespmem:v53+s16+$0x0], $0xffff  }
0x187: {  	v35 =	vadd.f32 v36, v35;
	v36 =	vmul.f32 v46, v37;
	v37 =	vld.idx.msk [tilespmem:v39+s14+$0x0], $0xffff;
	v39 =	vor.u32 $0xE, v33  }
0x188: {  	v42 =	vmul.f32 v42, v20;
	v38 =	vadd.f32 v45, v38;
	v45 =	vmul.f32 v40, v40;
	v46 =	vld.idx.msk [tilespmem:v51+s16+$0x0], $0xffff  }
0x189: {  	v33 =	vor.u32 $0xF, v33;
	v35 =	vadd.f32 v40, v35;
	v34 =	vmul.f32 v34, v41;
	v40 =	vld.idx.msk [tilespmem:v47+s14+$0x0], $0xffff  }
0x18a: {  	v41 =	vmul.f32 v42, v42;
	v36 =	vmul.f32 v36, v19;
	v38 =	vadd.f32 v45, v38;
	v45 =	vld.idx.msk [tilespmem:v52+s16+$0x0], $0xffff  }
0x18b: {  	v35 =	vadd.f32 v42, v35;
	v42 =	vmul.f32 v54, v43;
	v43 =	vld.idx.msk [tilespmem:v44+s14+$0x0], $0xffff  }
0x18c: {  	v34 =	vmul.f32 v34, v18;
	v38 =	vadd.f32 v41, v38;
	v41 =	vmul.f32 v36, v36;
	v44 =	vld.idx.msk [tilespmem:v48+s16+$0x0], $0xffff  }
0x18d: {  	v35 =	vadd.f32 v36, v35;
	v36 =	vmul.f32 v50, v37;
	v37 =	vld.idx.msk [tilespmem:v39+s14+$0x0], $0xffff  }
0x18e: {  	v38 =	vadd.f32 v41, v38;
	v39 =	vmul.f32 v34, v34;
	v41 =	vmul.f32 v42, v17;
	v42 =	vld.idx.msk [tilespmem:v49+s16+$0x0], $0xffff  }
0x18f: {  	v34 =	vadd.f32 v34, v35;
	v35 =	vmul.f32 v46, v40;
	v33 =	vld.idx.msk [tilespmem:v33+s14+$0x0], $0xffff  }
0x190: {  	v36 =	vmul.f32 v36, v28;
	v38 =	vadd.f32 v39, v38;
	v39 =	vmul.f32 v41, v41  }
0x191: {  	v34 =	vadd.f32 v41, v34;
	v40 =	vmul.f32 v45, v43  }
0x192: {  	v35 =	vmul.f32 v35, v29;
	v38 =	vadd.f32 v39, v38;
	v39 =	vmul.f32 v36, v36  }
0x193: {  	v34 =	vadd.f32 v36, v34;
	v36 =	vmul.f32 v44, v37  }
0x194: {  	v37 =	vadd.f32 v39, v38;
	v38 =	vmul.f32 v35, v35;
	v39 =	vmul.f32 v40, v30  }
0x195: {  	v34 =	vadd.f32 v35, v34;
	v33 =	vmul.f32 v42, v33  }
0x196: {  	v36 =	vmul.f32 v36, v31;
	v35 =	vadd.f32 v38, v37;
	v37 =	vmul.f32 v39, v39  }
0x197: {  	v34 =	vadd.f32 v39, v34  }
0x198: {  	v33 =	vmul.f32 v33, v32;
	v35 =	vadd.f32 v37, v35;
	v37 =	vmul.f32 v36, v36  }
0x199: {  	v34 =	vadd.f32 v36, v34  }
0x19a: {  	v36 =	vmul.f32 v33, v33;
	v35 =	vadd.f32 v37, v35  }
0x19b: {  	v33 =	vadd.f32 v33, v34  }
0x19c: {  	s21 =	sadd.s32 $0x10, s21;
	v34 =	vadd.f32 v36, v35  }
0x19d: {  	s22 =	sadd.s32 $0x10, s22;
	[tilespmem:s21+$0x0] =	vst v33  }
.Ltmp1:
0x19e: {  	s23 =	sadd.s32 $0x10, s23;
	[tilespmem:s22+$0x0] =	vst v34;
	(pc) =	sbr.rel @p0 .LBB2_4-.Ltmp1, $3  }
0x19f: {  	v34 =	vld [tilespmem:s23+$0x0];
	_ =	sdelay $0x1  }
0x1a0: {  	s24 =	sadd.s32 $0x10, s24  }
0x1a1: {  	s26 =	sadd.s32 $0x10, s26;
	v33 =	vld [tilespmem:s24+$0x0]  }
0x1a2: {  	v35 =	vmov s25  }
0x1a3: {  	v35 =	vshll.u32 v35, $0x7;
	v34 =	vshll.u32 v34, $0x4  }
0x1a4: {  	v34 =	vand.u32 $0x70, v34;
	v35 =	vor.u32 v16, v35  }
0x1a5: {  	v34 =	vor.u32 v35, v34  }
0x1a6: {  	v33 =	vshll.u32 v33, $0x4;
	v36 =	vor.u32 $0x2, v34  }
0x1a7: {  	v37 =	vor.u32 $0x1, v34;
	v33 =	vand.u32 $0x70, v33  }
0x1a8: {  	v33 =	vor.u32 v35, v33  }
0x1a9: {  	v35 =	vor.u32 $0x1, v33  }
0x1aa: {  	v39 =	vor.u32 $0x2, v33;
	v38 =	vld.idx.msk [tilespmem:v34+s16+$0x0], $0xffff  }
0x1ab: {  	v40 =	vor.u32 $0x3, v34;
	v36 =	vld.idx.msk [tilespmem:v36+s16+$0x0], $0xffff  }
0x1ac: {  	v41 =	vor.u32 $0x3, v33;
	v37 =	vld.idx.msk [tilespmem:v37+s16+$0x0], $0xffff  }
0x1ad: {  	v43 =	vor.u32 $0x4, v34;
	v42 =	vld.idx.msk [tilespmem:v33+s14+$0x0], $0xffff  }
0x1ae: {  	v44 =	vor.u32 $0x4, v33;
	v35 =	vld.idx.msk [tilespmem:v35+s14+$0x0], $0xffff  }
0x1af: {  	v45 =	vor.u32 $0x5, v34;
	v39 =	vld.idx.msk [tilespmem:v39+s14+$0x0], $0xffff  }
0x1b0: {  	v47 =	vor.u32 $0x6, v34;
	v48 =	vor.u32 $0xE, v34;
	v50 =	vor.u32 $0x6, v33;
	v40 =	vld.idx.msk [tilespmem:v40+s16+$0x0], $0xffff  }
0x1b1: {  	v49 =	vor.u32 $0xF, v34;
	v51 =	vor.u32 $0xC, v34;
	v46 =	vor.u32 $0x5, v33;
	v41 =	vld.idx.msk [tilespmem:v41+s14+$0x0], $0xffff  }
0x1b2: {  	v52 =	vor.u32 $0xD, v34;
	v59 =	vor.u32 $0x7, v34;
	v43 =	vld.idx.msk [tilespmem:v43+s16+$0x0], $0xffff;
	v38 =	vmul.f32 v38, v42  }
0x1b3: {  	v53 =	vor.u32 $0xB, v34;
	v54 =	vor.u32 $0xA, v34;
	v44 =	vld.idx.msk [tilespmem:v44+s14+$0x0], $0xffff;
	v35 =	vmul.f32 v37, v35  }
0x1b4: {  	v60 =	vor.u32 $0x7, v33;
	v45 =	vld.idx.msk [tilespmem:v45+s16+$0x0], $0xffff;
	v36 =	vmul.f32 v36, v39;
	v27 =	vmul.f32 v38, v27  }
0x1b5: {  	v61 =	vor.u32 $0x8, v34;
	v62 =	vor.u32 $0x8, v33;
	v56 =	vld.idx.msk [tilespmem:v50+s14+$0x0], $0xffff;
	v26 =	vmul.f32 v35, v26  }
0x1b6: {  	v55 =	vmul.f32 v40, v41;
	v38 =	vld.idx.msk [tilespmem:v46+s14+$0x0], $0xffff;
	v25 =	vmul.f32 v36, v25;
	v63 =	vadd.f32 $0.0e+00, v27  }
0x1b7: {  	v58 =	vor.u32 $0x9, v33;
	v42 =	vld.idx.msk [tilespmem:v59+s16+$0x0], $0xffff;
	v27 =	vmul.f32 v27, v27;
	v57 =	vmul.f32 v26, v26  }
0x1b8: {  	v34 =	vor.u32 $0x9, v34;
	v43 =	vmul.f32 v43, v44;
	v46 =	vld.idx.msk [tilespmem:v47+s16+$0x0], $0xffff;
	v26 =	vadd.f32 v26, v63  }
0x1b9: {  	v37 =	vld.idx.msk [tilespmem:v60+s14+$0x0], $0xffff;
	v24 =	vmul.f32 v55, v24;
	v59 =	vmul.f32 v25, v25;
	v27 =	vadd.f32 v57, v27  }
0x1ba: {  	v60 =	vor.u32 $0xA, v33;
	v39 =	vld.idx.msk [tilespmem:v61+s16+$0x0], $0xffff;
	v23 =	vmul.f32 v43, v23;
	v25 =	vadd.f32 v25, v26  }
0x1bb: {  	v35 =	vld.idx.msk [tilespmem:v62+s14+$0x0], $0xffff;
	v62 =	vmul.f32 v24, v24;
	v61 =	vmul.f32 v45, v38;
	v27 =	vadd.f32 v59, v27  }
0x1bc: {  	v54 =	vld.idx.msk [tilespmem:v54+s16+$0x0], $0xffff;
	v47 =	vmul.f32 v23, v23;
	v63 =	vor.u32 $0xB, v33;
	v24 =	vadd.f32 v24, v25  }
0x1bd: {  	v34 =	vld.idx.msk [tilespmem:v34+s16+$0x0], $0xffff;
	v45 =	vmul.f32 v46, v56;
	v22 =	vmul.f32 v61, v22;
	v27 =	vadd.f32 v62, v27  }
0x1be: {  	v50 =	vor.u32 $0xC, v33;
	v55 =	vmul.f32 v42, v37;
	v46 =	vld.idx.msk [tilespmem:v58+s14+$0x0], $0xffff;
	v23 =	vadd.f32 v23, v24  }
0x1bf: {  	v36 =	vld.idx.msk [tilespmem:v60+s14+$0x0], $0xffff;
	v21 =	vmul.f32 v45, v21;
	v56 =	vmul.f32 v22, v22;
	v27 =	vadd.f32 v47, v27  }
0x1c0: {  	v57 =	vor.u32 $0xD, v33;
	v58 =	vld.idx.msk [tilespmem:v53+s16+$0x0], $0xffff;
	v20 =	vmul.f32 v55, v20;
	v22 =	vadd.f32 v22, v23  }
0x1c1: {  	v59 =	vmul.f32 v39, v35;
	v60 =	vld.idx.msk [tilespmem:v63+s14+$0x0], $0xffff;
	v61 =	vmul.f32 v21, v21;
	v27 =	vadd.f32 v56, v27  }
0x1c2: {  	v48 =	vld.idx.msk [tilespmem:v48+s16+$0x0], $0xffff;
	v42 =	vmul.f32 v20, v20;
	v62 =	vor.u32 $0xE, v33;
	v21 =	vadd.f32 v21, v22  }
0x1c3: {  	v26 =	vld.idx.msk [tilespmem:v50+s14+$0x0], $0xffff;
	v19 =	vmul.f32 v59, v19;
	v41 =	vmul.f32 v34, v46;
	v27 =	vadd.f32 v61, v27  }
0x1c4: {  	v44 =	vor.u32 $0xF, v33;
	v63 =	vld.idx.msk [tilespmem:v51+s16+$0x0], $0xffff;
	v46 =	vmul.f32 v54, v36;
	v20 =	vadd.f32 v20, v21  }
0x1c5: {  	v45 =	vld.idx.msk [tilespmem:v52+s16+$0x0], $0xffff;
	v47 =	vmul.f32 v19, v19;
	v18 =	vmul.f32 v41, v18;
	v27 =	vadd.f32 v42, v27  }
0x1c6: {  	v25 =	vld.idx.msk [tilespmem:v57+s14+$0x0], $0xffff;
	v50 =	vmul.f32 v58, v60;
	v19 =	vadd.f32 v19, v20  }
0x1c7: {  	v17 =	vmul.f32 v46, v17;
	v24 =	vld.idx.msk [tilespmem:v62+s14+$0x0], $0xffff;
	v51 =	vmul.f32 v18, v18;
	v27 =	vadd.f32 v47, v27  }
0x1c8: {  	v20 =	vmul.f32 v50, v28;
	v18 =	vadd.f32 v18, v19  }
0x1c9: {  	v52 =	vld.idx.msk [tilespmem:v49+s16+$0x0], $0xffff;
	v54 =	vmul.f32 v17, v17;
	v19 =	vmul.f32 v63, v26;
	v53 =	vadd.f32 v51, v27  }
0x1ca: {  	v23 =	vld.idx.msk [tilespmem:v44+s14+$0x0], $0xffff;
	v56 =	vmul.f32 v20, v20;
	v17 =	vadd.f32 v17, v18  }
0x1cb: {  	v18 =	vmul.f32 v45, v25;
	v19 =	vmul.f32 v19, v29;
	v55 =	vadd.f32 v54, v53  }
0x1cc: {  	v57 =	vmul.f32 v48, v24;
	v17 =	vadd.f32 v20, v17  }
0x1cd: {  	v59 =	vmul.f32 v19, v19;
	v18 =	vmul.f32 v18, v30;
	v58 =	vadd.f32 v56, v55  }
0x1ce: {  	v20 =	vmul.f32 v57, v31;
	v17 =	vadd.f32 v19, v17  }
0x1cf: {  	v19 =	vmul.f32 v52, v23;
	v61 =	vmul.f32 v18, v18;
	v60 =	vadd.f32 v59, v58  }
0x1d0: {  	v17 =	vadd.f32 v18, v17  }
0x1d1: {  	v62 =	vmul.f32 v20, v20;
	v19 =	vmul.f32 v19, v32;
	v18 =	vadd.f32 v61, v60  }
0x1d2: {  	v17 =	vadd.f32 v20, v17  }
0x1d3: {  	v63 =	vmul.f32 v19, v19;
	v18 =	vadd.f32 v62, v18  }
0x1d4: {  	v17 =	vadd.f32 v19, v17  }
0x1d5: {  	s21 =	sadd.s32 $0x10, s21;
	v18 =	vadd.f32 v63, v18  }
0x1d6: {  	s31 =	sadd.s32 $0x10, s22;
	[tilespmem:s21+$0x0] =	vst v17  }
0x1d7: {  	[tilespmem:s31+$0x0] =	vst v18  }
0x1d8: {  	[hbm4b:s7+s2] =	stream.linear.scatter [tilespmem:s18], [sflag:$0x2], $0x200, $0x38;
	[tilespmem:$0x10A80] =	vst v63  }
0x1d9: {  	s20 =	sadd.s32 $0x1, s20;
	_ =	swait.ge [sflag:s10], $0x200  }
0x1da: {  	p0 =	sne.s32 s20, s9;
	[sflag:s10] =	ssyncset.done $0x0  }
.Ltmp2:
0x1db: {  	[sflag:s10] =	ssyncadd.s32 $0xFFFFFE00;
	(pc) =	sbr.rel @p0 .LBB2_1-.Ltmp2, $4  }
0x1dc: {  	[hbm4b:s8+s2] =	stream.linear.scatter [tilespmem:s19], [sflag:$0x2], $0x200, $0x38;
	[tilespmem:$0x10A80] =	vst v63  }
0x1dd: {  	_ =	swait.ge [sflag:s10], $0x200  }
0x1de: {  	[sflag:s10] =	ssyncset.done $0x0  }
0x1df: {  	[sflag:s10] =	ssyncadd.s32 $0xFFFFFE00  }
0x1e0: {  	_ =	sfence.sel $0x180000  }
0x1e1: {  	[bflag:$0x0] =	sbarrier.arrive $0xFFFF  }
0x1e2: {  	p0 =	sne.s32 s1, $0x0;
	_ =	strace $0x90000047  }
0x1e3: {  	s0 =	sadd.s32 @!p0 $0x100000, s0;
	[bflag:$0x2] =	sbarrier.arrive $0xFFFF  }
0x1e4: {  	[sflag:s0] =	ssyncadd.tile.s32 @!p0 $0x1;
	_ =	shalt  }
.Lfunc_end2:
_tile_overlayer_lowered:
.L_overlay_start_2:
0x1e5: {  	(tag) =	ssettag $0x2  }
0x1e6: {  	s0 =	rddreg [dreg:$0x0];
	s2 =	stileid.u32  }
0x1e7: {  	s1 =	rddreg [dreg:$0x1];
	p0 =	sne.s32 s2, $0x0  }
0x1e8: {  	s3 =	rddreg [dreg:$0x2];
	[bflag:$0x3] =	sbarrier.arrive $0xFFFF;
	s2 =	simm.s32 @!p0 $0x1C02  }
0x1e9: {  	[timem:s3], [sflag:s2] =	dma.local @!p0 [hbm:s0], s1  }
0x1ea: {  	s0 =	simm.s32 @!p0 $0x2  }
0x1eb: {  	_ =	swait.ge @!p0 [sflag:s0], s1  }
0x1ec: {  	s1 =	ssub.s32 @!p0 $0x0, s1;
	[sflag:s0] =	ssyncset.done @!p0 $0x0  }
0x1ed: {  	[sflag:s0] =	ssyncadd.s32 @!p0 s1  }
0x1ee: {  	[bflag:$0x3] =	sbarrier.arrive $0xFFFF  }
0x1ef: {  	_ =	shalt  }

</sc_bundles>
